<compile_context>
chip_gen: v7x
topology: tpu7x:2x2x1
jax: 0.10.2.dev20260603
libtpu: 0.0.44.dev20260713+nightly
codegen_flags: <defaults>
</compile_context>

<pallas_src>
import functools

import jax
import jax.numpy as jnp
from jax import lax
from jax.experimental import pallas as pl
from jax.experimental.pallas import tpu as pltpu
from jax.experimental.pallas import tpu_sc as plsc

MAX_MASK_FRAC = 0.1
NUM_MASKS = 2

NBUF = 4
CH = 64
LANES = 16


def _mask_params(B, T):
    max_mask_len = max(1, int(MAX_MASK_FRAC * T))
    max_mask_len = min(max_mask_len, T)
    key = jax.random.key(42)
    k1, k2 = jax.random.split(key)
    mask_len = jax.random.randint(k1, (B, NUM_MASKS), 1, max_mask_len + 1)
    u = jax.random.uniform(k2, (B, NUM_MASKS))
    start = jnp.floor(u * (T - mask_len + 1).astype(jnp.float32)).astype(jnp.int32)
    end = start + mask_len.astype(jnp.int32)
    return start, end


def _make_sc_kernel(B, T, C):
    mesh = plsc.VectorSubcoreMesh(core_axis_name="c", subcore_axis_name="s")
    nchunk = T // CH
    nsteps = nchunk // NBUF

    @functools.partial(
        pl.kernel,
        mesh=mesh,
        compiler_params=pltpu.CompilerParams(needs_layout_passes=False),
        out_type=jax.ShapeDtypeStruct((B, T, C), jnp.float32),
        scratch_types=[
            pltpu.VMEM((NBUF, CH, C), jnp.float32),
            pltpu.VMEM((2 * NUM_MASKS * B // LANES, LANES), jnp.int32),
        ]
        + [pltpu.SemaphoreType.DMA] * (2 * NBUF + 1),
    )
    def sc_kernel(x_hbm, se_hbm, out_hbm, buf, se_v, *sems):
        se_sem = sems[0]
        sin = sems[1 : 1 + NBUF]
        sout = sems[1 + NBUF :]

        b = lax.axis_index("s") * 2 + lax.axis_index("c")
        grp = b // LANES
        lane = b % LANES

        pltpu.make_async_copy(se_hbm, se_v, se_sem).start()
        pltpu.make_async_copy(se_hbm, se_v, se_sem).wait()
        lane_iota = lax.iota(jnp.int32, LANES)
        onlane = lane_iota == lane

        def scalar_at(k):
            vec = se_v[2 * k + grp, :]
            return jnp.max(jnp.where(onlane, vec, 0))

        s1, e1, s2, e2 = (scalar_at(k) for k in range(4))

        zeros = jnp.zeros((LANES,), jnp.float32)

        def start_in(i, q):
            pltpu.make_async_copy(
                x_hbm.at[b, pl.ds(i * CH, CH), :], buf.at[q], sin[q]
            ).start()

        def wait_in(q):
            pltpu.make_async_copy(
                x_hbm.at[b, pl.ds(0, CH), :], buf.at[q], sin[q]
            ).wait()

        def start_out(i, q):
            pltpu.make_async_copy(
                buf.at[q], out_hbm.at[b, pl.ds(i * CH, CH), :], sout[q]
            ).start()

        def wait_out(q):
            pltpu.make_async_copy(
                buf.at[q], out_hbm.at[b, pl.ds(0, CH), :], sout[q]
            ).wait()

        def zero_rows(q, t0):
            for s, e in ((s1, e1), (s2, e2)):
                lo = jnp.maximum(s - t0, 0)
                hi = jnp.minimum(e - t0, CH)

                def row_body(r, _):
                    for j in range(C // LANES):
                        buf[q, r, pl.ds(j * LANES, LANES)] = zeros
                    return 0

                @pl.when(lo < hi)
                def _():
                    lax.fori_loop(lo, hi, row_body, 0)

        for q in range(NBUF):
            start_in(q, q)

        def step_body(step, _):
            for q in range(NBUF):
                i = step * NBUF + q
                wait_in(q)
                if True:
                    pass
                else:
                    zero_rows(q, i * CH)
                start_out(i, q)
                j = i - 2
                qj = (q + 2) % NBUF

                @pl.when((j >= 0) & (j + NBUF < nchunk))
                def _():
                    wait_out(qj)
                    start_in(j + NBUF, qj)

            return 0

        lax.fori_loop(0, nsteps, step_body, 0)

        for j in range(nchunk - NBUF, nchunk):
            wait_out(j % NBUF)

    return sc_kernel


def kernel(x):
    B, T, C = x.shape
    start, end = _mask_params(B, T)
    se = jnp.stack([start[:, 0], end[:, 0], start[:, 1], end[:, 1]], axis=0)
    se = se.astype(jnp.int32).reshape(2 * NUM_MASKS * B // LANES, LANES)
    return _make_sc_kernel(B, T, C)(x, se)

# --- scband reference (transcript-rebuilt; emitter-appended) ---
"""Pipeline reference for scband-time-masking-73375221285347 (READ-ONLY COPY).

The authoritative reference and input builder live on the scoring server;
editing this copy changes nothing except your own understanding.
"""

import jax, jax.numpy as jnp
import numpy as np

MAX_MASK_FRAC = 0.1
NUM_MASKS = 2
REPLACE_WITH_ZERO = True


def setup_inputs(seed: int = 0) -> dict:
    key = jax.random.key(seed)
    x = jax.random.normal(key, (32, 4096, 256), dtype=jnp.float32)
    return {"x": x}


def reference(x):
    # Faithful JAX translation of SpecAugment-style TimeMasking.
    # Original torch module draws mask_len ~ U{1..max_mask_len} and
    # start ~ U{0..T-mask_len} independently per (batch, mask), then
    # overwrites x[b, start:start+mask_len, :] with zeros (scatter-overwrite).
    B, T, C = x.shape
    max_mask_len = max(1, int(MAX_MASK_FRAC * T))
    max_mask_len = min(max_mask_len, T)
    key = jax.random.key(42)
    k1, k2 = jax.random.split(key)
    # mask_len in [1, max_mask_len] per (batch, mask)
    mask_len = jax.random.randint(k1, (B, NUM_MASKS), 1, max_mask_len + 1)
    # start in [0, T - mask_len] per (batch, mask); data-dependent upper bound
    # realized via uniform scaling (same distribution as torch.randint loop)
    u = jax.random.uniform(k2, (B, NUM_MASKS))
    start = jnp.floor(u * (T - mask_len + 1).astype(jnp.float32)).astype(jnp.int32)
    t = jnp.arange(T, dtype=jnp.int32)
    # per-(b, m, t) interval membership, then OR over masks
    in_mask = (t[None, None, :] >= start[:, :, None]) & (
        t[None, None, :] < (start + mask_len)[:, :, None]
    )
    mask_bt = jnp.any(in_mask, axis=1)  # [B, T]
    if REPLACE_WITH_ZERO:
        out = jnp.where(mask_bt[:, :, None], jnp.zeros((), dtype=x.dtype), x)
    else:
        mean_vec = x.mean(axis=1, keepdims=True)
        out = jnp.where(mask_bt[:, :, None], mean_vec, x)
    return out

if __name__ == "__main__":
    import jax
    _d = setup_inputs()
    print(jax.jit(kernel)(*tuple(_d.values())))

</pallas_src>

<mosaic_0001>
#map = affine_map<(d0, d1) -> (0, 0, 0)>
#map1 = affine_map<(d0, d1) -> (0, 0)>
module attributes {stable_mosaic.version = 14 : i64} {
  func.func @sc_kernel(%arg0: i32, %arg1: i32, %arg2: memref<32x4096x256xf32, #tpu.memory_space<hbm>>, %arg3: memref<8x16xi32, #tpu.memory_space<hbm>>, %arg4: memref<32x4096x256xf32, #tpu.memory_space<hbm>>, %arg5: memref<4x64x256xf32, #tpu.memory_space<vmem>>, %arg6: memref<8x16xi32, #tpu.memory_space<vmem>>, %arg7: memref<!tpu.dma_semaphore, #tpu.memory_space<semaphore_mem>>, %arg8: memref<!tpu.dma_semaphore, #tpu.memory_space<semaphore_mem>>, %arg9: memref<!tpu.dma_semaphore, #tpu.memory_space<semaphore_mem>>, %arg10: memref<!tpu.dma_semaphore, #tpu.memory_space<semaphore_mem>>, %arg11: memref<!tpu.dma_semaphore, #tpu.memory_space<semaphore_mem>>, %arg12: memref<!tpu.dma_semaphore, #tpu.memory_space<semaphore_mem>>, %arg13: memref<!tpu.dma_semaphore, #tpu.memory_space<semaphore_mem>>, %arg14: memref<!tpu.dma_semaphore, #tpu.memory_space<semaphore_mem>>, %arg15: memref<!tpu.dma_semaphore, #tpu.memory_space<semaphore_mem>>) attributes {dimension_semantics = [#tpu.dimension_semantics<core_parallel>, #tpu.dimension_semantics<subcore_parallel>], iteration_bounds = array<i64: 2, 16>, scalar_prefetch = 0 : i64, scratch_operands = 11 : i64, tpu.core_type = #tpu.core_type<sc_vector_subcore>, window_params = [{transform_indices = #map}, {transform_indices = #map1}, {transform_indices = #map}]} {
    %mul3A = arith.constant 2 : i32
    %mul3A_0 = arith.muli %arg1, %mul3A : i32
    %add3A = arith.addi %mul3A_0, %arg0 : i32
    %jit3A = arith.constant 16 : i32
    %div3A = arith.divsi %add3A, %jit3A : i32
    %sign3A = arith.constant 0 : i32
    %sign3A_1 = arith.cmpi sgt, %add3A, %sign3A : i32
    %sign3A_2 = arith.extui %sign3A_1 : i1 to i32
    %sign3A_3 = arith.constant 0 : i32
    %sign3A_4 = arith.cmpi slt, %add3A, %sign3A_3 : i32
    %sign3A_5 = arith.extui %sign3A_4 : i1 to i32
    %sign3A_6 = arith.subi %sign3A_2, %sign3A_5 : i32
    %sign3A_7 = arith.constant 0 : i32
    %sign3A_8 = arith.cmpi sgt, %jit3A, %sign3A_7 : i32
    %sign3A_9 = arith.extui %sign3A_8 : i1 to i32
    %sign3A_10 = arith.constant 0 : i32
    %sign3A_11 = arith.cmpi slt, %jit3A, %sign3A_10 : i32
    %sign3A_12 = arith.extui %sign3A_11 : i1 to i32
    %sign3A_13 = arith.subi %sign3A_9, %sign3A_12 : i32
    %ne3A = arith.cmpi ne, %sign3A_6, %sign3A_13 : i32
    %rem3A = arith.remsi %add3A, %jit3A : i32
    %ne3A_14 = arith.constant 0 : i32
    %ne3A_15 = arith.cmpi ne, %rem3A, %ne3A_14 : i32
    %and3A = arith.andi %ne3A, %ne3A_15 : i1
    %sub3A = arith.constant 1 : i32
    %sub3A_16 = arith.subi %div3A, %sub3A : i32
    %select_n3A = arith.select %and3A, %sub3A_16, %div3A : i32
    %jit3A_17 = arith.constant 16 : i32
    %eq3A = arith.constant 0 : i32
    %eq3A_18 = arith.cmpi eq, %jit3A_17, %eq3A : i32
    %jit3A_19 = arith.constant 1 : i32
    %select_n3A_20 = arith.select %eq3A_18, %jit3A_19, %jit3A_17 : i32
    %rem3A_21 = arith.remsi %add3A, %select_n3A_20 : i32
    %ne3A_22 = arith.constant 0 : i32
    %ne3A_23 = arith.cmpi ne, %rem3A_21, %ne3A_22 : i32
    %lt3A = arith.constant 0 : i32
    %lt3A_24 = arith.cmpi slt, %rem3A_21, %lt3A : i32
    %lt3A_25 = arith.constant 0 : i32
    %lt3A_26 = arith.cmpi slt, %select_n3A_20, %lt3A_25 : i32
    %ne3A_27 = arith.xori %lt3A_24, %lt3A_26 : i1
    %and3A_28 = arith.andi %ne3A_27, %ne3A_23 : i1
    %add3A_29 = arith.addi %rem3A_21, %select_n3A_20 : i32
    %select_n3A_30 = arith.select %and3A_28, %add3A_29, %rem3A_21 : i32
    tpu.enqueue_dma source(%arg3 : memref<8x16xi32, #tpu.memory_space<hbm>>) target(%arg6 : memref<8x16xi32, #tpu.memory_space<vmem>>) target_semaphore(%arg7 : memref<!tpu.dma_semaphore, #tpu.memory_space<semaphore_mem>>)
    tpu.wait_dma2 semaphore(%arg7 : memref<!tpu.dma_semaphore, #tpu.memory_space<semaphore_mem>>) src(%arg3 : memref<8x16xi32, #tpu.memory_space<hbm>>) dst(%arg6 : memref<8x16xi32, #tpu.memory_space<vmem>>)
    %iota3A = tpu.iota {dimensions = array<i32: 0>} : vector<16xi32>
    %eq3A_31 = vector.broadcast %select_n3A_30 : i32 to vector<16xi32>
    %eq3A_32 = arith.cmpi eq, %iota3A, %eq3A_31 : vector<16xi32>
    %add3A_33 = arith.constant 0 : i32
    %add3A_34 = arith.addi %add3A_33, %select_n3A : i32
    %get3A = arith.index_cast %add3A_34 : i32 to index
    %get3A_35 = arith.constant 0 : index
    %get3A_36 = tpu.vector_load %arg6[%get3A, %get3A_35] {strides = array<i32>} : memref<8x16xi32, #tpu.memory_space<vmem>>, vector<16xi32>,
    %jit3A_37 = arith.constant 0 : i32
    %broadcast_in_dim3A = vector.broadcast %jit3A_37 : i32 to vector<16xi32>
    %select_n3A_38 = arith.select %eq3A_32, %get3A_36, %broadcast_in_dim3A : vector<16xi1>, vector<16xi32>
    %reduce_max3A = arith.constant true
    %reduce_max3A_39 = vector.broadcast %reduce_max3A : i1 to vector<16xi1>
    %reduce_max3A_40 = arith.constant -2147483648 : i32
    %reduce_max3A_41 = vector.broadcast %reduce_max3A_40 : i32 to vector<16xi32>
    %reduce_max3A_42 = arith.xori %select_n3A_38, %reduce_max3A_41 : vector<16xi32>
    %reduce_max3A_43 = tpu.scan <max>, %reduce_max3A_42 masked %reduce_max3A_39 : vector<16xi32>, vector<16xi1> -> vector<16xi32>
    %reduce_max3A_44 = arith.xori %reduce_max3A_43, %reduce_max3A_41 : vector<16xi32>
    %reduce_max3A_45 = vector.extract %reduce_max3A_44[15] : i32 from vector<16xi32>
    %add3A_46 = arith.constant 2 : i32
    %add3A_47 = arith.addi %add3A_46, %select_n3A : i32
    %get3A_48 = arith.index_cast %add3A_47 : i32 to index
    %get3A_49 = arith.constant 0 : index
    %get3A_50 = tpu.vector_load %arg6[%get3A_48, %get3A_49] {strides = array<i32>} : memref<8x16xi32, #tpu.memory_space<vmem>>, vector<16xi32>,
    %jit3A_51 = arith.constant 0 : i32
    %broadcast_in_dim3A_52 = vector.broadcast %jit3A_51 : i32 to vector<16xi32>
    %select_n3A_53 = arith.select %eq3A_32, %get3A_50, %broadcast_in_dim3A_52 : vector<16xi1>, vector<16xi32>
    %reduce_max3A_54 = arith.constant true
    %reduce_max3A_55 = vector.broadcast %reduce_max3A_54 : i1 to vector<16xi1>
    %reduce_max3A_56 = arith.constant -2147483648 : i32
    %reduce_max3A_57 = vector.broadcast %reduce_max3A_56 : i32 to vector<16xi32>
    %reduce_max3A_58 = arith.xori %select_n3A_53, %reduce_max3A_57 : vector<16xi32>
    %reduce_max3A_59 = tpu.scan <max>, %reduce_max3A_58 masked %reduce_max3A_55 : vector<16xi32>, vector<16xi1> -> vector<16xi32>
    %reduce_max3A_60 = arith.xori %reduce_max3A_59, %reduce_max3A_57 : vector<16xi32>
    %reduce_max3A_61 = vector.extract %reduce_max3A_60[15] : i32 from vector<16xi32>
    %add3A_62 = arith.constant 4 : i32
    %add3A_63 = arith.addi %add3A_62, %select_n3A : i32
    %get3A_64 = arith.index_cast %add3A_63 : i32 to index
    %get3A_65 = arith.constant 0 : index
    %get3A_66 = tpu.vector_load %arg6[%get3A_64, %get3A_65] {strides = array<i32>} : memref<8x16xi32, #tpu.memory_space<vmem>>, vector<16xi32>,
    %jit3A_67 = arith.constant 0 : i32
    %broadcast_in_dim3A_68 = vector.broadcast %jit3A_67 : i32 to vector<16xi32>
    %select_n3A_69 = arith.select %eq3A_32, %get3A_66, %broadcast_in_dim3A_68 : vector<16xi1>, vector<16xi32>
    %reduce_max3A_70 = arith.constant true
    %reduce_max3A_71 = vector.broadcast %reduce_max3A_70 : i1 to vector<16xi1>
    %reduce_max3A_72 = arith.constant -2147483648 : i32
    %reduce_max3A_73 = vector.broadcast %reduce_max3A_72 : i32 to vector<16xi32>
    %reduce_max3A_74 = arith.xori %select_n3A_69, %reduce_max3A_73 : vector<16xi32>
    %reduce_max3A_75 = tpu.scan <max>, %reduce_max3A_74 masked %reduce_max3A_71 : vector<16xi32>, vector<16xi1> -> vector<16xi32>
    %reduce_max3A_76 = arith.xori %reduce_max3A_75, %reduce_max3A_73 : vector<16xi32>
    %reduce_max3A_77 = vector.extract %reduce_max3A_76[15] : i32 from vector<16xi32>
    %add3A_78 = arith.constant 6 : i32
    %add3A_79 = arith.addi %add3A_78, %select_n3A : i32
    %get3A_80 = arith.index_cast %add3A_79 : i32 to index
    %get3A_81 = arith.constant 0 : index
    %get3A_82 = tpu.vector_load %arg6[%get3A_80, %get3A_81] {strides = array<i32>} : memref<8x16xi32, #tpu.memory_space<vmem>>, vector<16xi32>,
    %jit3A_83 = arith.constant 0 : i32
    %broadcast_in_dim3A_84 = vector.broadcast %jit3A_83 : i32 to vector<16xi32>
    %select_n3A_85 = arith.select %eq3A_32, %get3A_82, %broadcast_in_dim3A_84 : vector<16xi1>, vector<16xi32>
    %reduce_max3A_86 = arith.constant true
    %reduce_max3A_87 = vector.broadcast %reduce_max3A_86 : i1 to vector<16xi1>
    %reduce_max3A_88 = arith.constant -2147483648 : i32
    %reduce_max3A_89 = vector.broadcast %reduce_max3A_88 : i32 to vector<16xi32>
    %reduce_max3A_90 = arith.xori %select_n3A_85, %reduce_max3A_89 : vector<16xi32>
    %reduce_max3A_91 = tpu.scan <max>, %reduce_max3A_90 masked %reduce_max3A_87 : vector<16xi32>, vector<16xi1> -> vector<16xi32>
    %reduce_max3A_92 = arith.xori %reduce_max3A_91, %reduce_max3A_89 : vector<16xi32>
    %reduce_max3A_93 = vector.extract %reduce_max3A_92[15] : i32 from vector<16xi32>
    %broadcast_in_dim3A_94 = arith.constant 0.000000e+00 : f32
    %broadcast_in_dim3A_95 = vector.broadcast %broadcast_in_dim3A_94 : f32 to vector<16xf32>
    %dma_start3A = arith.constant 0 : i32
    %dma_start3A_96 = arith.constant 0 : i32
    %dma_start3A_97 = arith.constant 0 : i32
    %dma_start3A_98 = tpu.memref_slice %arg5[%dma_start3A, %dma_start3A_96, %dma_start3A_97] : memref<4x64x256xf32, #tpu.memory_space<vmem>> -> memref<1x64x256xf32, #tpu.memory_space<vmem>>
    %dma_start3A_99 = tpu.memref_squeeze %dma_start3A_98 : memref<1x64x256xf32, #tpu.memory_space<vmem>> -> memref<64x256xf32, #tpu.memory_space<vmem>>
    %dma_start3A_100 = arith.constant 0 : i32
    %dma_start3A_101 = arith.constant 0 : i32
    %dma_start3A_102 = tpu.memref_slice %arg2[%add3A, %dma_start3A_100, %dma_start3A_101] : memref<32x4096x256xf32, #tpu.memory_space<hbm>> -> memref<1x64x256xf32, #tpu.memory_space<hbm>>
    %dma_start3A_103 = tpu.memref_squeeze %dma_start3A_102 : memref<1x64x256xf32, #tpu.memory_space<hbm>> -> memref<64x256xf32, #tpu.memory_space<hbm>>
    %dma_start3A_104 = arith.constant 0 : i32
    %dma_start3A_105 = arith.constant 0 : i32
    %dma_start3A_106 = tpu.memref_slice %arg5[%dma_start3A, %dma_start3A_104, %dma_start3A_105] : memref<4x64x256xf32, #tpu.memory_space<vmem>> -> memref<1x64x256xf32, #tpu.memory_space<vmem>>
    %dma_start3A_107 = tpu.memref_squeeze %dma_start3A_106 : memref<1x64x256xf32, #tpu.memory_space<vmem>> -> memref<64x256xf32, #tpu.memory_space<vmem>>
    %dma_start3A_108 = arith.constant 0 : i32
    %dma_start3A_109 = arith.constant 0 : i32
    %dma_start3A_110 = tpu.memref_slice %arg2[%add3A, %dma_start3A_108, %dma_start3A_109] : memref<32x4096x256xf32, #tpu.memory_space<hbm>> -> memref<1x64x256xf32, #tpu.memory_space<hbm>>
    %dma_start3A_111 = tpu.memref_squeeze %dma_start3A_110 : memref<1x64x256xf32, #tpu.memory_space<hbm>> -> memref<64x256xf32, #tpu.memory_space<hbm>>
    tpu.enqueue_dma source(%dma_start3A_111 : memref<64x256xf32, #tpu.memory_space<hbm>>) target(%dma_start3A_107 : memref<64x256xf32, #tpu.memory_space<vmem>>) target_semaphore(%arg8 : memref<!tpu.dma_semaphore, #tpu.memory_space<semaphore_mem>>)
    %dma_start3A_112 = arith.constant 1 : i32
    %dma_start3A_113 = arith.constant 0 : i32
    %dma_start3A_114 = arith.constant 0 : i32
    %dma_start3A_115 = tpu.memref_slice %arg5[%dma_start3A_112, %dma_start3A_113, %dma_start3A_114] : memref<4x64x256xf32, #tpu.memory_space<vmem>> -> memref<1x64x256xf32, #tpu.memory_space<vmem>>
    %dma_start3A_116 = tpu.memref_squeeze %dma_start3A_115 : memref<1x64x256xf32, #tpu.memory_space<vmem>> -> memref<64x256xf32, #tpu.memory_space<vmem>>
    %dma_start3A_117 = arith.constant 64 : i32
    %dma_start3A_118 = arith.constant 0 : i32
    %dma_start3A_119 = tpu.memref_slice %arg2[%add3A, %dma_start3A_117, %dma_start3A_118] : memref<32x4096x256xf32, #tpu.memory_space<hbm>> -> memref<1x64x256xf32, #tpu.memory_space<hbm>>
    %dma_start3A_120 = tpu.memref_squeeze %dma_start3A_119 : memref<1x64x256xf32, #tpu.memory_space<hbm>> -> memref<64x256xf32, #tpu.memory_space<hbm>>
    %dma_start3A_121 = arith.constant 0 : i32
    %dma_start3A_122 = arith.constant 0 : i32
    %dma_start3A_123 = tpu.memref_slice %arg5[%dma_start3A_112, %dma_start3A_121, %dma_start3A_122] : memref<4x64x256xf32, #tpu.memory_space<vmem>> -> memref<1x64x256xf32, #tpu.memory_space<vmem>>
    %dma_start3A_124 = tpu.memref_squeeze %dma_start3A_123 : memref<1x64x256xf32, #tpu.memory_space<vmem>> -> memref<64x256xf32, #tpu.memory_space<vmem>>
    %dma_start3A_125 = arith.constant 64 : i32
    %dma_start3A_126 = arith.constant 0 : i32
    %dma_start3A_127 = tpu.memref_slice %arg2[%add3A, %dma_start3A_125, %dma_start3A_126] : memref<32x4096x256xf32, #tpu.memory_space<hbm>> -> memref<1x64x256xf32, #tpu.memory_space<hbm>>
    %dma_start3A_128 = tpu.memref_squeeze %dma_start3A_127 : memref<1x64x256xf32, #tpu.memory_space<hbm>> -> memref<64x256xf32, #tpu.memory_space<hbm>>
    tpu.enqueue_dma source(%dma_start3A_128 : memref<64x256xf32, #tpu.memory_space<hbm>>) target(%dma_start3A_124 : memref<64x256xf32, #tpu.memory_space<vmem>>) target_semaphore(%arg9 : memref<!tpu.dma_semaphore, #tpu.memory_space<semaphore_mem>>)
    %dma_start3A_129 = arith.constant 2 : i32
    %dma_start3A_130 = arith.constant 0 : i32
    %dma_start3A_131 = arith.constant 0 : i32
    %dma_start3A_132 = tpu.memref_slice %arg5[%dma_start3A_129, %dma_start3A_130, %dma_start3A_131] : memref<4x64x256xf32, #tpu.memory_space<vmem>> -> memref<1x64x256xf32, #tpu.memory_space<vmem>>
    %dma_start3A_133 = tpu.memref_squeeze %dma_start3A_132 : memref<1x64x256xf32, #tpu.memory_space<vmem>> -> memref<64x256xf32, #tpu.memory_space<vmem>>
    %dma_start3A_134 = arith.constant 128 : i32
    %dma_start3A_135 = arith.constant 0 : i32
    %dma_start3A_136 = tpu.memref_slice %arg2[%add3A, %dma_start3A_134, %dma_start3A_135] : memref<32x4096x256xf32, #tpu.memory_space<hbm>> -> memref<1x64x256xf32, #tpu.memory_space<hbm>>
    %dma_start3A_137 = tpu.memref_squeeze %dma_start3A_136 : memref<1x64x256xf32, #tpu.memory_space<hbm>> -> memref<64x256xf32, #tpu.memory_space<hbm>>
    %dma_start3A_138 = arith.constant 0 : i32
    %dma_start3A_139 = arith.constant 0 : i32
    %dma_start3A_140 = tpu.memref_slice %arg5[%dma_start3A_129, %dma_start3A_138, %dma_start3A_139] : memref<4x64x256xf32, #tpu.memory_space<vmem>> -> memref<1x64x256xf32, #tpu.memory_space<vmem>>
    %dma_start3A_141 = tpu.memref_squeeze %dma_start3A_140 : memref<1x64x256xf32, #tpu.memory_space<vmem>> -> memref<64x256xf32, #tpu.memory_space<vmem>>
    %dma_start3A_142 = arith.constant 128 : i32
    %dma_start3A_143 = arith.constant 0 : i32
    %dma_start3A_144 = tpu.memref_slice %arg2[%add3A, %dma_start3A_142, %dma_start3A_143] : memref<32x4096x256xf32, #tpu.memory_space<hbm>> -> memref<1x64x256xf32, #tpu.memory_space<hbm>>
    %dma_start3A_145 = tpu.memref_squeeze %dma_start3A_144 : memref<1x64x256xf32, #tpu.memory_space<hbm>> -> memref<64x256xf32, #tpu.memory_space<hbm>>
    tpu.enqueue_dma source(%dma_start3A_145 : memref<64x256xf32, #tpu.memory_space<hbm>>) target(%dma_start3A_141 : memref<64x256xf32, #tpu.memory_space<vmem>>) target_semaphore(%arg10 : memref<!tpu.dma_semaphore, #tpu.memory_space<semaphore_mem>>)
    %dma_start3A_146 = arith.constant 3 : i32
    %dma_start3A_147 = arith.constant 0 : i32
    %dma_start3A_148 = arith.constant 0 : i32
    %dma_start3A_149 = tpu.memref_slice %arg5[%dma_start3A_146, %dma_start3A_147, %dma_start3A_148] : memref<4x64x256xf32, #tpu.memory_space<vmem>> -> memref<1x64x256xf32, #tpu.memory_space<vmem>>
    %dma_start3A_150 = tpu.memref_squeeze %dma_start3A_149 : memref<1x64x256xf32, #tpu.memory_space<vmem>> -> memref<64x256xf32, #tpu.memory_space<vmem>>
    %dma_start3A_151 = arith.constant 192 : i32
    %dma_start3A_152 = arith.constant 0 : i32
    %dma_start3A_153 = tpu.memref_slice %arg2[%add3A, %dma_start3A_151, %dma_start3A_152] : memref<32x4096x256xf32, #tpu.memory_space<hbm>> -> memref<1x64x256xf32, #tpu.memory_space<hbm>>
    %dma_start3A_154 = tpu.memref_squeeze %dma_start3A_153 : memref<1x64x256xf32, #tpu.memory_space<hbm>> -> memref<64x256xf32, #tpu.memory_space<hbm>>
    %dma_start3A_155 = arith.constant 0 : i32
    %dma_start3A_156 = arith.constant 0 : i32
    %dma_start3A_157 = tpu.memref_slice %arg5[%dma_start3A_146, %dma_start3A_155, %dma_start3A_156] : memref<4x64x256xf32, #tpu.memory_space<vmem>> -> memref<1x64x256xf32, #tpu.memory_space<vmem>>
    %dma_start3A_158 = tpu.memref_squeeze %dma_start3A_157 : memref<1x64x256xf32, #tpu.memory_space<vmem>> -> memref<64x256xf32, #tpu.memory_space<vmem>>
    %dma_start3A_159 = arith.constant 192 : i32
    %dma_start3A_160 = arith.constant 0 : i32
    %dma_start3A_161 = tpu.memref_slice %arg2[%add3A, %dma_start3A_159, %dma_start3A_160] : memref<32x4096x256xf32, #tpu.memory_space<hbm>> -> memref<1x64x256xf32, #tpu.memory_space<hbm>>
    %dma_start3A_162 = tpu.memref_squeeze %dma_start3A_161 : memref<1x64x256xf32, #tpu.memory_space<hbm>> -> memref<64x256xf32, #tpu.memory_space<hbm>>
    tpu.enqueue_dma source(%dma_start3A_162 : memref<64x256xf32, #tpu.memory_space<hbm>>) target(%dma_start3A_158 : memref<64x256xf32, #tpu.memory_space<vmem>>) target_semaphore(%arg11 : memref<!tpu.dma_semaphore, #tpu.memory_space<semaphore_mem>>)
    %scan3A = arith.constant 0 : i32
    %scan3A_163 = arith.constant 0 : i32
    %scan3A_164 = arith.constant 16 : i32
    %scan3A_165 = arith.addi %scan3A_163, %scan3A_164 : i32
    %scan3A_166 = arith.constant 1 : i32
    %scan3A_167 = scf.for %scan3A_236 = %scan3A_163 to %scan3A_165 step %scan3A_166 iter_args(%scan3A_237 = %scan3A) -> (i32)  : i32 {
      %mul3A_238 = arith.constant 4 : i32
      %mul3A_239 = arith.muli %scan3A_236, %mul3A_238 : i32
      %add3A_240 = arith.constant 0 : i32
      %add3A_241 = arith.addi %mul3A_239, %add3A_240 : i32
      %dma_wait3A_242 = arith.constant 0 : i32
      %dma_wait3A_243 = arith.constant 0 : i32
      %dma_wait3A_244 = arith.constant 0 : i32
      %dma_wait3A_245 = tpu.memref_slice %arg5[%dma_wait3A_242, %dma_wait3A_243, %dma_wait3A_244] : memref<4x64x256xf32, #tpu.memory_space<vmem>> -> memref<1x64x256xf32, #tpu.memory_space<vmem>>
      %dma_wait3A_246 = tpu.memref_squeeze %dma_wait3A_245 : memref<1x64x256xf32, #tpu.memory_space<vmem>> -> memref<64x256xf32, #tpu.memory_space<vmem>>
      %dma_wait3A_247 = arith.constant 0 : i32
      %dma_wait3A_248 = arith.constant 0 : i32
      %dma_wait3A_249 = tpu.memref_slice %arg2[%add3A, %dma_wait3A_247, %dma_wait3A_248] : memref<32x4096x256xf32, #tpu.memory_space<hbm>> -> memref<1x64x256xf32, #tpu.memory_space<hbm>>
      %dma_wait3A_250 = tpu.memref_squeeze %dma_wait3A_249 : memref<1x64x256xf32, #tpu.memory_space<hbm>> -> memref<64x256xf32, #tpu.memory_space<hbm>>
      %dma_wait3A_251 = arith.constant 0 : i32
      %dma_wait3A_252 = arith.constant 0 : i32
      %dma_wait3A_253 = tpu.memref_slice %arg5[%dma_wait3A_242, %dma_wait3A_251, %dma_wait3A_252] : memref<4x64x256xf32, #tpu.memory_space<vmem>> -> memref<1x64x256xf32, #tpu.memory_space<vmem>>
      %dma_wait3A_254 = tpu.memref_squeeze %dma_wait3A_253 : memref<1x64x256xf32, #tpu.memory_space<vmem>> -> memref<64x256xf32, #tpu.memory_space<vmem>>
      %dma_wait3A_255 = arith.constant 0 : i32
      %dma_wait3A_256 = arith.constant 0 : i32
      %dma_wait3A_257 = tpu.memref_slice %arg2[%add3A, %dma_wait3A_255, %dma_wait3A_256] : memref<32x4096x256xf32, #tpu.memory_space<hbm>> -> memref<1x64x256xf32, #tpu.memory_space<hbm>>
      %dma_wait3A_258 = tpu.memref_squeeze %dma_wait3A_257 : memref<1x64x256xf32, #tpu.memory_space<hbm>> -> memref<64x256xf32, #tpu.memory_space<hbm>>
      tpu.wait_dma2 semaphore(%arg8 : memref<!tpu.dma_semaphore, #tpu.memory_space<semaphore_mem>>) src(%dma_wait3A_258 : memref<64x256xf32, #tpu.memory_space<hbm>>) dst(%dma_wait3A_254 : memref<64x256xf32, #tpu.memory_space<vmem>>)
      %mul3A_259 = arith.constant 64 : i32
      %mul3A_260 = arith.muli %add3A_241, %mul3A_259 : i32
      %dma_start3A_261 = arith.constant 0 : i32
      %dma_start3A_262 = arith.constant 0 : i32
      %dma_start3A_263 = arith.constant 0 : i32
      %dma_start3A_264 = tpu.memref_slice %arg5[%dma_start3A_261, %dma_start3A_262, %dma_start3A_263] : memref<4x64x256xf32, #tpu.memory_space<vmem>> -> memref<1x64x256xf32, #tpu.memory_space<vmem>>
      %dma_start3A_265 = tpu.memref_squeeze %dma_start3A_264 : memref<1x64x256xf32, #tpu.memory_space<vmem>> -> memref<64x256xf32, #tpu.memory_space<vmem>>
      %dma_start3A_266 = arith.constant 0 : i32
      %dma_start3A_267 = tpu.memref_slice %arg4[%add3A, %mul3A_260, %dma_start3A_266] : memref<32x4096x256xf32, #tpu.memory_space<hbm>> -> memref<1x64x256xf32, #tpu.memory_space<hbm>>
      %dma_start3A_268 = tpu.memref_squeeze %dma_start3A_267 : memref<1x64x256xf32, #tpu.memory_space<hbm>> -> memref<64x256xf32, #tpu.memory_space<hbm>>
      %dma_start3A_269 = arith.constant 0 : i32
      %dma_start3A_270 = tpu.memref_slice %arg4[%add3A, %mul3A_260, %dma_start3A_269] : memref<32x4096x256xf32, #tpu.memory_space<hbm>> -> memref<1x64x256xf32, #tpu.memory_space<hbm>>
      %dma_start3A_271 = tpu.memref_squeeze %dma_start3A_270 : memref<1x64x256xf32, #tpu.memory_space<hbm>> -> memref<64x256xf32, #tpu.memory_space<hbm>>
      %dma_start3A_272 = arith.constant 0 : i32
      %dma_start3A_273 = arith.constant 0 : i32
      %dma_start3A_274 = tpu.memref_slice %arg5[%dma_start3A_261, %dma_start3A_272, %dma_start3A_273] : memref<4x64x256xf32, #tpu.memory_space<vmem>> -> memref<1x64x256xf32, #tpu.memory_space<vmem>>
      %dma_start3A_275 = tpu.memref_squeeze %dma_start3A_274 : memref<1x64x256xf32, #tpu.memory_space<vmem>> -> memref<64x256xf32, #tpu.memory_space<vmem>>
      tpu.enqueue_dma source(%dma_start3A_275 : memref<64x256xf32, #tpu.memory_space<vmem>>) target(%dma_start3A_271 : memref<64x256xf32, #tpu.memory_space<hbm>>) target_semaphore(%arg12 : memref<!tpu.dma_semaphore, #tpu.memory_space<semaphore_mem>>)
      %sub3A_276 = arith.constant 2 : i32
      %sub3A_277 = arith.subi %add3A_241, %sub3A_276 : i32
      %ge3A = arith.constant 0 : i32
      %ge3A_278 = arith.cmpi sge, %sub3A_277, %ge3A : i32
      %add3A_279 = arith.constant 4 : i32
      %add3A_280 = arith.addi %sub3A_277, %add3A_279 : i32
      %lt3A_281 = arith.constant 64 : i32
      %lt3A_282 = arith.cmpi slt, %add3A_280, %lt3A_281 : i32
      %and3A_283 = arith.andi %ge3A_278, %lt3A_282 : i1
      %convert_element_type3A = arith.extui %and3A_283 : i1 to i32
      %cond3A = arith.constant 0 : i32
      %cond3A_284 = arith.cmpi ne, %convert_element_type3A, %cond3A : i32
      scf.if %cond3A_284 {
        %dma_wait3A_436 = arith.constant 2 : i32
        %dma_wait3A_437 = arith.constant 0 : i32
        %dma_wait3A_438 = arith.constant 0 : i32
        %dma_wait3A_439 = tpu.memref_slice %arg5[%dma_wait3A_436, %dma_wait3A_437, %dma_wait3A_438] : memref<4x64x256xf32, #tpu.memory_space<vmem>> -> memref<1x64x256xf32, #tpu.memory_space<vmem>>
        %dma_wait3A_440 = tpu.memref_squeeze %dma_wait3A_439 : memref<1x64x256xf32, #tpu.memory_space<vmem>> -> memref<64x256xf32, #tpu.memory_space<vmem>>
        %dma_wait3A_441 = arith.constant 0 : i32
        %dma_wait3A_442 = arith.constant 0 : i32
        %dma_wait3A_443 = tpu.memref_slice %arg4[%add3A, %dma_wait3A_441, %dma_wait3A_442] : memref<32x4096x256xf32, #tpu.memory_space<hbm>> -> memref<1x64x256xf32, #tpu.memory_space<hbm>>
        %dma_wait3A_444 = tpu.memref_squeeze %dma_wait3A_443 : memref<1x64x256xf32, #tpu.memory_space<hbm>> -> memref<64x256xf32, #tpu.memory_space<hbm>>
        %dma_wait3A_445 = arith.constant 0 : i32
        %dma_wait3A_446 = arith.constant 0 : i32
        %dma_wait3A_447 = tpu.memref_slice %arg4[%add3A, %dma_wait3A_445, %dma_wait3A_446] : memref<32x4096x256xf32, #tpu.memory_space<hbm>> -> memref<1x64x256xf32, #tpu.memory_space<hbm>>
        %dma_wait3A_448 = tpu.memref_squeeze %dma_wait3A_447 : memref<1x64x256xf32, #tpu.memory_space<hbm>> -> memref<64x256xf32, #tpu.memory_space<hbm>>
        %dma_wait3A_449 = arith.constant 0 : i32
        %dma_wait3A_450 = arith.constant 0 : i32
        %dma_wait3A_451 = tpu.memref_slice %arg5[%dma_wait3A_436, %dma_wait3A_449, %dma_wait3A_450] : memref<4x64x256xf32, #tpu.memory_space<vmem>> -> memref<1x64x256xf32, #tpu.memory_space<vmem>>
        %dma_wait3A_452 = tpu.memref_squeeze %dma_wait3A_451 : memref<1x64x256xf32, #tpu.memory_space<vmem>> -> memref<64x256xf32, #tpu.memory_space<vmem>>
        tpu.wait_dma2 semaphore(%arg14 : memref<!tpu.dma_semaphore, #tpu.memory_space<semaphore_mem>>) src(%dma_wait3A_452 : memref<64x256xf32, #tpu.memory_space<vmem>>) dst(%dma_wait3A_448 : memref<64x256xf32, #tpu.memory_space<hbm>>)
        %add3A_453 = arith.constant 4 : i32
        %add3A_454 = arith.addi %sub3A_277, %add3A_453 : i32
        %mul3A_455 = arith.constant 64 : i32
        %mul3A_456 = arith.muli %add3A_454, %mul3A_455 : i32
        %dma_start3A_457 = arith.constant 2 : i32
        %dma_start3A_458 = arith.constant 0 : i32
        %dma_start3A_459 = arith.constant 0 : i32
        %dma_start3A_460 = tpu.memref_slice %arg5[%dma_start3A_457, %dma_start3A_458, %dma_start3A_459] : memref<4x64x256xf32, #tpu.memory_space<vmem>> -> memref<1x64x256xf32, #tpu.memory_space<vmem>>
        %dma_start3A_461 = tpu.memref_squeeze %dma_start3A_460 : memref<1x64x256xf32, #tpu.memory_space<vmem>> -> memref<64x256xf32, #tpu.memory_space<vmem>>
        %dma_start3A_462 = arith.constant 0 : i32
        %dma_start3A_463 = tpu.memref_slice %arg2[%add3A, %mul3A_456, %dma_start3A_462] : memref<32x4096x256xf32, #tpu.memory_space<hbm>> -> memref<1x64x256xf32, #tpu.memory_space<hbm>>
        %dma_start3A_464 = tpu.memref_squeeze %dma_start3A_463 : memref<1x64x256xf32, #tpu.memory_space<hbm>> -> memref<64x256xf32, #tpu.memory_space<hbm>>
        %dma_start3A_465 = arith.constant 0 : i32
        %dma_start3A_466 = arith.constant 0 : i32
        %dma_start3A_467 = tpu.memref_slice %arg5[%dma_start3A_457, %dma_start3A_465, %dma_start3A_466] : memref<4x64x256xf32, #tpu.memory_space<vmem>> -> memref<1x64x256xf32, #tpu.memory_space<vmem>>
        %dma_start3A_468 = tpu.memref_squeeze %dma_start3A_467 : memref<1x64x256xf32, #tpu.memory_space<vmem>> -> memref<64x256xf32, #tpu.memory_space<vmem>>
        %dma_start3A_469 = arith.constant 0 : i32
        %dma_start3A_470 = tpu.memref_slice %arg2[%add3A, %mul3A_456, %dma_start3A_469] : memref<32x4096x256xf32, #tpu.memory_space<hbm>> -> memref<1x64x256xf32, #tpu.memory_space<hbm>>
        %dma_start3A_471 = tpu.memref_squeeze %dma_start3A_470 : memref<1x64x256xf32, #tpu.memory_space<hbm>> -> memref<64x256xf32, #tpu.memory_space<hbm>>
        tpu.enqueue_dma source(%dma_start3A_471 : memref<64x256xf32, #tpu.memory_space<hbm>>) target(%dma_start3A_468 : memref<64x256xf32, #tpu.memory_space<vmem>>) target_semaphore(%arg10 : memref<!tpu.dma_semaphore, #tpu.memory_space<semaphore_mem>>)
      } else {
      }
      %mul3A_285 = arith.constant 4 : i32
      %mul3A_286 = arith.muli %scan3A_236, %mul3A_285 : i32
      %add3A_287 = arith.constant 1 : i32
      %add3A_288 = arith.addi %mul3A_286, %add3A_287 : i32
      %dma_wait3A_289 = arith.constant 1 : i32
      %dma_wait3A_290 = arith.constant 0 : i32
      %dma_wait3A_291 = arith.constant 0 : i32
      %dma_wait3A_292 = tpu.memref_slice %arg5[%dma_wait3A_289, %dma_wait3A_290, %dma_wait3A_291] : memref<4x64x256xf32, #tpu.memory_space<vmem>> -> memref<1x64x256xf32, #tpu.memory_space<vmem>>
      %dma_wait3A_293 = tpu.memref_squeeze %dma_wait3A_292 : memref<1x64x256xf32, #tpu.memory_space<vmem>> -> memref<64x256xf32, #tpu.memory_space<vmem>>
      %dma_wait3A_294 = arith.constant 0 : i32
      %dma_wait3A_295 = arith.constant 0 : i32
      %dma_wait3A_296 = tpu.memref_slice %arg2[%add3A, %dma_wait3A_294, %dma_wait3A_295] : memref<32x4096x256xf32, #tpu.memory_space<hbm>> -> memref<1x64x256xf32, #tpu.memory_space<hbm>>
      %dma_wait3A_297 = tpu.memref_squeeze %dma_wait3A_296 : memref<1x64x256xf32, #tpu.memory_space<hbm>> -> memref<64x256xf32, #tpu.memory_space<hbm>>
      %dma_wait3A_298 = arith.constant 0 : i32
      %dma_wait3A_299 = arith.constant 0 : i32
      %dma_wait3A_300 = tpu.memref_slice %arg5[%dma_wait3A_289, %dma_wait3A_298, %dma_wait3A_299] : memref<4x64x256xf32, #tpu.memory_space<vmem>> -> memref<1x64x256xf32, #tpu.memory_space<vmem>>
      %dma_wait3A_301 = tpu.memref_squeeze %dma_wait3A_300 : memref<1x64x256xf32, #tpu.memory_space<vmem>> -> memref<64x256xf32, #tpu.memory_space<vmem>>
      %dma_wait3A_302 = arith.constant 0 : i32
      %dma_wait3A_303 = arith.constant 0 : i32
      %dma_wait3A_304 = tpu.memref_slice %arg2[%add3A, %dma_wait3A_302, %dma_wait3A_303] : memref<32x4096x256xf32, #tpu.memory_space<hbm>> -> memref<1x64x256xf32, #tpu.memory_space<hbm>>
      %dma_wait3A_305 = tpu.memref_squeeze %dma_wait3A_304 : memref<1x64x256xf32, #tpu.memory_space<hbm>> -> memref<64x256xf32, #tpu.memory_space<hbm>>
      tpu.wait_dma2 semaphore(%arg9 : memref<!tpu.dma_semaphore, #tpu.memory_space<semaphore_mem>>) src(%dma_wait3A_305 : memref<64x256xf32, #tpu.memory_space<hbm>>) dst(%dma_wait3A_301 : memref<64x256xf32, #tpu.memory_space<vmem>>)
      %mul3A_306 = arith.constant 64 : i32
      %mul3A_307 = arith.muli %add3A_288, %mul3A_306 : i32
      %dma_start3A_308 = arith.constant 1 : i32
      %dma_start3A_309 = arith.constant 0 : i32
      %dma_start3A_310 = arith.constant 0 : i32
      %dma_start3A_311 = tpu.memref_slice %arg5[%dma_start3A_308, %dma_start3A_309, %dma_start3A_310] : memref<4x64x256xf32, #tpu.memory_space<vmem>> -> memref<1x64x256xf32, #tpu.memory_space<vmem>>
      %dma_start3A_312 = tpu.memref_squeeze %dma_start3A_311 : memref<1x64x256xf32, #tpu.memory_space<vmem>> -> memref<64x256xf32, #tpu.memory_space<vmem>>
      %dma_start3A_313 = arith.constant 0 : i32
      %dma_start3A_314 = tpu.memref_slice %arg4[%add3A, %mul3A_307, %dma_start3A_313] : memref<32x4096x256xf32, #tpu.memory_space<hbm>> -> memref<1x64x256xf32, #tpu.memory_space<hbm>>
      %dma_start3A_315 = tpu.memref_squeeze %dma_start3A_314 : memref<1x64x256xf32, #tpu.memory_space<hbm>> -> memref<64x256xf32, #tpu.memory_space<hbm>>
      %dma_start3A_316 = arith.constant 0 : i32
      %dma_start3A_317 = tpu.memref_slice %arg4[%add3A, %mul3A_307, %dma_start3A_316] : memref<32x4096x256xf32, #tpu.memory_space<hbm>> -> memref<1x64x256xf32, #tpu.memory_space<hbm>>
      %dma_start3A_318 = tpu.memref_squeeze %dma_start3A_317 : memref<1x64x256xf32, #tpu.memory_space<hbm>> -> memref<64x256xf32, #tpu.memory_space<hbm>>
      %dma_start3A_319 = arith.constant 0 : i32
      %dma_start3A_320 = arith.constant 0 : i32
      %dma_start3A_321 = tpu.memref_slice %arg5[%dma_start3A_308, %dma_start3A_319, %dma_start3A_320] : memref<4x64x256xf32, #tpu.memory_space<vmem>> -> memref<1x64x256xf32, #tpu.memory_space<vmem>>
      %dma_start3A_322 = tpu.memref_squeeze %dma_start3A_321 : memref<1x64x256xf32, #tpu.memory_space<vmem>> -> memref<64x256xf32, #tpu.memory_space<vmem>>
      tpu.enqueue_dma source(%dma_start3A_322 : memref<64x256xf32, #tpu.memory_space<vmem>>) target(%dma_start3A_318 : memref<64x256xf32, #tpu.memory_space<hbm>>) target_semaphore(%arg13 : memref<!tpu.dma_semaphore, #tpu.memory_space<semaphore_mem>>)
      %sub3A_323 = arith.constant 2 : i32
      %sub3A_324 = arith.subi %add3A_288, %sub3A_323 : i32
      %ge3A_325 = arith.constant 0 : i32
      %ge3A_326 = arith.cmpi sge, %sub3A_324, %ge3A_325 : i32
      %add3A_327 = arith.constant 4 : i32
      %add3A_328 = arith.addi %sub3A_324, %add3A_327 : i32
      %lt3A_329 = arith.constant 64 : i32
      %lt3A_330 = arith.cmpi slt, %add3A_328, %lt3A_329 : i32
      %and3A_331 = arith.andi %ge3A_326, %lt3A_330 : i1
      %convert_element_type3A_332 = arith.extui %and3A_331 : i1 to i32
      %cond3A_333 = arith.constant 0 : i32
      %cond3A_334 = arith.cmpi ne, %convert_element_type3A_332, %cond3A_333 : i32
      scf.if %cond3A_334 {
        %dma_wait3A_436 = arith.constant 3 : i32
        %dma_wait3A_437 = arith.constant 0 : i32
        %dma_wait3A_438 = arith.constant 0 : i32
        %dma_wait3A_439 = tpu.memref_slice %arg5[%dma_wait3A_436, %dma_wait3A_437, %dma_wait3A_438] : memref<4x64x256xf32, #tpu.memory_space<vmem>> -> memref<1x64x256xf32, #tpu.memory_space<vmem>>
        %dma_wait3A_440 = tpu.memref_squeeze %dma_wait3A_439 : memref<1x64x256xf32, #tpu.memory_space<vmem>> -> memref<64x256xf32, #tpu.memory_space<vmem>>
        %dma_wait3A_441 = arith.constant 0 : i32
        %dma_wait3A_442 = arith.constant 0 : i32
        %dma_wait3A_443 = tpu.memref_slice %arg4[%add3A, %dma_wait3A_441, %dma_wait3A_442] : memref<32x4096x256xf32, #tpu.memory_space<hbm>> -> memref<1x64x256xf32, #tpu.memory_space<hbm>>
        %dma_wait3A_444 = tpu.memref_squeeze %dma_wait3A_443 : memref<1x64x256xf32, #tpu.memory_space<hbm>> -> memref<64x256xf32, #tpu.memory_space<hbm>>
        %dma_wait3A_445 = arith.constant 0 : i32
        %dma_wait3A_446 = arith.constant 0 : i32
        %dma_wait3A_447 = tpu.memref_slice %arg4[%add3A, %dma_wait3A_445, %dma_wait3A_446] : memref<32x4096x256xf32, #tpu.memory_space<hbm>> -> memref<1x64x256xf32, #tpu.memory_space<hbm>>
        %dma_wait3A_448 = tpu.memref_squeeze %dma_wait3A_447 : memref<1x64x256xf32, #tpu.memory_space<hbm>> -> memref<64x256xf32, #tpu.memory_space<hbm>>
        %dma_wait3A_449 = arith.constant 0 : i32
        %dma_wait3A_450 = arith.constant 0 : i32
        %dma_wait3A_451 = tpu.memref_slice %arg5[%dma_wait3A_436, %dma_wait3A_449, %dma_wait3A_450] : memref<4x64x256xf32, #tpu.memory_space<vmem>> -> memref<1x64x256xf32, #tpu.memory_space<vmem>>
        %dma_wait3A_452 = tpu.memref_squeeze %dma_wait3A_451 : memref<1x64x256xf32, #tpu.memory_space<vmem>> -> memref<64x256xf32, #tpu.memory_space<vmem>>
        tpu.wait_dma2 semaphore(%arg15 : memref<!tpu.dma_semaphore, #tpu.memory_space<semaphore_mem>>) src(%dma_wait3A_452 : memref<64x256xf32, #tpu.memory_space<vmem>>) dst(%dma_wait3A_448 : memref<64x256xf32, #tpu.memory_space<hbm>>)
        %add3A_453 = arith.constant 4 : i32
        %add3A_454 = arith.addi %sub3A_324, %add3A_453 : i32
        %mul3A_455 = arith.constant 64 : i32
        %mul3A_456 = arith.muli %add3A_454, %mul3A_455 : i32
        %dma_start3A_457 = arith.constant 3 : i32
        %dma_start3A_458 = arith.constant 0 : i32
        %dma_start3A_459 = arith.constant 0 : i32
        %dma_start3A_460 = tpu.memref_slice %arg5[%dma_start3A_457, %dma_start3A_458, %dma_start3A_459] : memref<4x64x256xf32, #tpu.memory_space<vmem>> -> memref<1x64x256xf32, #tpu.memory_space<vmem>>
        %dma_start3A_461 = tpu.memref_squeeze %dma_start3A_460 : memref<1x64x256xf32, #tpu.memory_space<vmem>> -> memref<64x256xf32, #tpu.memory_space<vmem>>
        %dma_start3A_462 = arith.constant 0 : i32
        %dma_start3A_463 = tpu.memref_slice %arg2[%add3A, %mul3A_456, %dma_start3A_462] : memref<32x4096x256xf32, #tpu.memory_space<hbm>> -> memref<1x64x256xf32, #tpu.memory_space<hbm>>
        %dma_start3A_464 = tpu.memref_squeeze %dma_start3A_463 : memref<1x64x256xf32, #tpu.memory_space<hbm>> -> memref<64x256xf32, #tpu.memory_space<hbm>>
        %dma_start3A_465 = arith.constant 0 : i32
        %dma_start3A_466 = arith.constant 0 : i32
        %dma_start3A_467 = tpu.memref_slice %arg5[%dma_start3A_457, %dma_start3A_465, %dma_start3A_466] : memref<4x64x256xf32, #tpu.memory_space<vmem>> -> memref<1x64x256xf32, #tpu.memory_space<vmem>>
        %dma_start3A_468 = tpu.memref_squeeze %dma_start3A_467 : memref<1x64x256xf32, #tpu.memory_space<vmem>> -> memref<64x256xf32, #tpu.memory_space<vmem>>
        %dma_start3A_469 = arith.constant 0 : i32
        %dma_start3A_470 = tpu.memref_slice %arg2[%add3A, %mul3A_456, %dma_start3A_469] : memref<32x4096x256xf32, #tpu.memory_space<hbm>> -> memref<1x64x256xf32, #tpu.memory_space<hbm>>
        %dma_start3A_471 = tpu.memref_squeeze %dma_start3A_470 : memref<1x64x256xf32, #tpu.memory_space<hbm>> -> memref<64x256xf32, #tpu.memory_space<hbm>>
        tpu.enqueue_dma source(%dma_start3A_471 : memref<64x256xf32, #tpu.memory_space<hbm>>) target(%dma_start3A_468 : memref<64x256xf32, #tpu.memory_space<vmem>>) target_semaphore(%arg11 : memref<!tpu.dma_semaphore, #tpu.memory_space<semaphore_mem>>)
      } else {
      }
      %mul3A_335 = arith.constant 4 : i32
      %mul3A_336 = arith.muli %scan3A_236, %mul3A_335 : i32
      %add3A_337 = arith.constant 2 : i32
      %add3A_338 = arith.addi %mul3A_336, %add3A_337 : i32
      %dma_wait3A_339 = arith.constant 2 : i32
      %dma_wait3A_340 = arith.constant 0 : i32
      %dma_wait3A_341 = arith.constant 0 : i32
      %dma_wait3A_342 = tpu.memref_slice %arg5[%dma_wait3A_339, %dma_wait3A_340, %dma_wait3A_341] : memref<4x64x256xf32, #tpu.memory_space<vmem>> -> memref<1x64x256xf32, #tpu.memory_space<vmem>>
      %dma_wait3A_343 = tpu.memref_squeeze %dma_wait3A_342 : memref<1x64x256xf32, #tpu.memory_space<vmem>> -> memref<64x256xf32, #tpu.memory_space<vmem>>
      %dma_wait3A_344 = arith.constant 0 : i32
      %dma_wait3A_345 = arith.constant 0 : i32
      %dma_wait3A_346 = tpu.memref_slice %arg2[%add3A, %dma_wait3A_344, %dma_wait3A_345] : memref<32x4096x256xf32, #tpu.memory_space<hbm>> -> memref<1x64x256xf32, #tpu.memory_space<hbm>>
      %dma_wait3A_347 = tpu.memref_squeeze %dma_wait3A_346 : memref<1x64x256xf32, #tpu.memory_space<hbm>> -> memref<64x256xf32, #tpu.memory_space<hbm>>
      %dma_wait3A_348 = arith.constant 0 : i32
      %dma_wait3A_349 = arith.constant 0 : i32
      %dma_wait3A_350 = tpu.memref_slice %arg5[%dma_wait3A_339, %dma_wait3A_348, %dma_wait3A_349] : memref<4x64x256xf32, #tpu.memory_space<vmem>> -> memref<1x64x256xf32, #tpu.memory_space<vmem>>
      %dma_wait3A_351 = tpu.memref_squeeze %dma_wait3A_350 : memref<1x64x256xf32, #tpu.memory_space<vmem>> -> memref<64x256xf32, #tpu.memory_space<vmem>>
      %dma_wait3A_352 = arith.constant 0 : i32
      %dma_wait3A_353 = arith.constant 0 : i32
      %dma_wait3A_354 = tpu.memref_slice %arg2[%add3A, %dma_wait3A_352, %dma_wait3A_353] : memref<32x4096x256xf32, #tpu.memory_space<hbm>> -> memref<1x64x256xf32, #tpu.memory_space<hbm>>
      %dma_wait3A_355 = tpu.memref_squeeze %dma_wait3A_354 : memref<1x64x256xf32, #tpu.memory_space<hbm>> -> memref<64x256xf32, #tpu.memory_space<hbm>>
      tpu.wait_dma2 semaphore(%arg10 : memref<!tpu.dma_semaphore, #tpu.memory_space<semaphore_mem>>) src(%dma_wait3A_355 : memref<64x256xf32, #tpu.memory_space<hbm>>) dst(%dma_wait3A_351 : memref<64x256xf32, #tpu.memory_space<vmem>>)
      %mul3A_356 = arith.constant 64 : i32
      %mul3A_357 = arith.muli %add3A_338, %mul3A_356 : i32
      %dma_start3A_358 = arith.constant 2 : i32
      %dma_start3A_359 = arith.constant 0 : i32
      %dma_start3A_360 = arith.constant 0 : i32
      %dma_start3A_361 = tpu.memref_slice %arg5[%dma_start3A_358, %dma_start3A_359, %dma_start3A_360] : memref<4x64x256xf32, #tpu.memory_space<vmem>> -> memref<1x64x256xf32, #tpu.memory_space<vmem>>
      %dma_start3A_362 = tpu.memref_squeeze %dma_start3A_361 : memref<1x64x256xf32, #tpu.memory_space<vmem>> -> memref<64x256xf32, #tpu.memory_space<vmem>>
      %dma_start3A_363 = arith.constant 0 : i32
      %dma_start3A_364 = tpu.memref_slice %arg4[%add3A, %mul3A_357, %dma_start3A_363] : memref<32x4096x256xf32, #tpu.memory_space<hbm>> -> memref<1x64x256xf32, #tpu.memory_space<hbm>>
      %dma_start3A_365 = tpu.memref_squeeze %dma_start3A_364 : memref<1x64x256xf32, #tpu.memory_space<hbm>> -> memref<64x256xf32, #tpu.memory_space<hbm>>
      %dma_start3A_366 = arith.constant 0 : i32
      %dma_start3A_367 = tpu.memref_slice %arg4[%add3A, %mul3A_357, %dma_start3A_366] : memref<32x4096x256xf32, #tpu.memory_space<hbm>> -> memref<1x64x256xf32, #tpu.memory_space<hbm>>
      %dma_start3A_368 = tpu.memref_squeeze %dma_start3A_367 : memref<1x64x256xf32, #tpu.memory_space<hbm>> -> memref<64x256xf32, #tpu.memory_space<hbm>>
      %dma_start3A_369 = arith.constant 0 : i32
      %dma_start3A_370 = arith.constant 0 : i32
      %dma_start3A_371 = tpu.memref_slice %arg5[%dma_start3A_358, %dma_start3A_369, %dma_start3A_370] : memref<4x64x256xf32, #tpu.memory_space<vmem>> -> memref<1x64x256xf32, #tpu.memory_space<vmem>>
      %dma_start3A_372 = tpu.memref_squeeze %dma_start3A_371 : memref<1x64x256xf32, #tpu.memory_space<vmem>> -> memref<64x256xf32, #tpu.memory_space<vmem>>
      tpu.enqueue_dma source(%dma_start3A_372 : memref<64x256xf32, #tpu.memory_space<vmem>>) target(%dma_start3A_368 : memref<64x256xf32, #tpu.memory_space<hbm>>) target_semaphore(%arg14 : memref<!tpu.dma_semaphore, #tpu.memory_space<semaphore_mem>>)
      %sub3A_373 = arith.constant 2 : i32
      %sub3A_374 = arith.subi %add3A_338, %sub3A_373 : i32
      %ge3A_375 = arith.constant 0 : i32
      %ge3A_376 = arith.cmpi sge, %sub3A_374, %ge3A_375 : i32
      %add3A_377 = arith.constant 4 : i32
      %add3A_378 = arith.addi %sub3A_374, %add3A_377 : i32
      %lt3A_379 = arith.constant 64 : i32
      %lt3A_380 = arith.cmpi slt, %add3A_378, %lt3A_379 : i32
      %and3A_381 = arith.andi %ge3A_376, %lt3A_380 : i1
      %convert_element_type3A_382 = arith.extui %and3A_381 : i1 to i32
      %cond3A_383 = arith.constant 0 : i32
      %cond3A_384 = arith.cmpi ne, %convert_element_type3A_382, %cond3A_383 : i32
      scf.if %cond3A_384 {
        %dma_wait3A_436 = arith.constant 0 : i32
        %dma_wait3A_437 = arith.constant 0 : i32
        %dma_wait3A_438 = arith.constant 0 : i32
        %dma_wait3A_439 = tpu.memref_slice %arg5[%dma_wait3A_436, %dma_wait3A_437, %dma_wait3A_438] : memref<4x64x256xf32, #tpu.memory_space<vmem>> -> memref<1x64x256xf32, #tpu.memory_space<vmem>>
        %dma_wait3A_440 = tpu.memref_squeeze %dma_wait3A_439 : memref<1x64x256xf32, #tpu.memory_space<vmem>> -> memref<64x256xf32, #tpu.memory_space<vmem>>
        %dma_wait3A_441 = arith.constant 0 : i32
        %dma_wait3A_442 = arith.constant 0 : i32
        %dma_wait3A_443 = tpu.memref_slice %arg4[%add3A, %dma_wait3A_441, %dma_wait3A_442] : memref<32x4096x256xf32, #tpu.memory_space<hbm>> -> memref<1x64x256xf32, #tpu.memory_space<hbm>>
        %dma_wait3A_444 = tpu.memref_squeeze %dma_wait3A_443 : memref<1x64x256xf32, #tpu.memory_space<hbm>> -> memref<64x256xf32, #tpu.memory_space<hbm>>
        %dma_wait3A_445 = arith.constant 0 : i32
        %dma_wait3A_446 = arith.constant 0 : i32
        %dma_wait3A_447 = tpu.memref_slice %arg4[%add3A, %dma_wait3A_445, %dma_wait3A_446] : memref<32x4096x256xf32, #tpu.memory_space<hbm>> -> memref<1x64x256xf32, #tpu.memory_space<hbm>>
        %dma_wait3A_448 = tpu.memref_squeeze %dma_wait3A_447 : memref<1x64x256xf32, #tpu.memory_space<hbm>> -> memref<64x256xf32, #tpu.memory_space<hbm>>
        %dma_wait3A_449 = arith.constant 0 : i32
        %dma_wait3A_450 = arith.constant 0 : i32
        %dma_wait3A_451 = tpu.memref_slice %arg5[%dma_wait3A_436, %dma_wait3A_449, %dma_wait3A_450] : memref<4x64x256xf32, #tpu.memory_space<vmem>> -> memref<1x64x256xf32, #tpu.memory_space<vmem>>
        %dma_wait3A_452 = tpu.memref_squeeze %dma_wait3A_451 : memref<1x64x256xf32, #tpu.memory_space<vmem>> -> memref<64x256xf32, #tpu.memory_space<vmem>>
        tpu.wait_dma2 semaphore(%arg12 : memref<!tpu.dma_semaphore, #tpu.memory_space<semaphore_mem>>) src(%dma_wait3A_452 : memref<64x256xf32, #tpu.memory_space<vmem>>) dst(%dma_wait3A_448 : memref<64x256xf32, #tpu.memory_space<hbm>>)
        %add3A_453 = arith.constant 4 : i32
        %add3A_454 = arith.addi %sub3A_374, %add3A_453 : i32
        %mul3A_455 = arith.constant 64 : i32
        %mul3A_456 = arith.muli %add3A_454, %mul3A_455 : i32
        %dma_start3A_457 = arith.constant 0 : i32
        %dma_start3A_458 = arith.constant 0 : i32
        %dma_start3A_459 = arith.constant 0 : i32
        %dma_start3A_460 = tpu.memref_slice %arg5[%dma_start3A_457, %dma_start3A_458, %dma_start3A_459] : memref<4x64x256xf32, #tpu.memory_space<vmem>> -> memref<1x64x256xf32, #tpu.memory_space<vmem>>
        %dma_start3A_461 = tpu.memref_squeeze %dma_start3A_460 : memref<1x64x256xf32, #tpu.memory_space<vmem>> -> memref<64x256xf32, #tpu.memory_space<vmem>>
        %dma_start3A_462 = arith.constant 0 : i32
        %dma_start3A_463 = tpu.memref_slice %arg2[%add3A, %mul3A_456, %dma_start3A_462] : memref<32x4096x256xf32, #tpu.memory_space<hbm>> -> memref<1x64x256xf32, #tpu.memory_space<hbm>>
        %dma_start3A_464 = tpu.memref_squeeze %dma_start3A_463 : memref<1x64x256xf32, #tpu.memory_space<hbm>> -> memref<64x256xf32, #tpu.memory_space<hbm>>
        %dma_start3A_465 = arith.constant 0 : i32
        %dma_start3A_466 = arith.constant 0 : i32
        %dma_start3A_467 = tpu.memref_slice %arg5[%dma_start3A_457, %dma_start3A_465, %dma_start3A_466] : memref<4x64x256xf32, #tpu.memory_space<vmem>> -> memref<1x64x256xf32, #tpu.memory_space<vmem>>
        %dma_start3A_468 = tpu.memref_squeeze %dma_start3A_467 : memref<1x64x256xf32, #tpu.memory_space<vmem>> -> memref<64x256xf32, #tpu.memory_space<vmem>>
        %dma_start3A_469 = arith.constant 0 : i32
        %dma_start3A_470 = tpu.memref_slice %arg2[%add3A, %mul3A_456, %dma_start3A_469] : memref<32x4096x256xf32, #tpu.memory_space<hbm>> -> memref<1x64x256xf32, #tpu.memory_space<hbm>>
        %dma_start3A_471 = tpu.memref_squeeze %dma_start3A_470 : memref<1x64x256xf32, #tpu.memory_space<hbm>> -> memref<64x256xf32, #tpu.memory_space<hbm>>
        tpu.enqueue_dma source(%dma_start3A_471 : memref<64x256xf32, #tpu.memory_space<hbm>>) target(%dma_start3A_468 : memref<64x256xf32, #tpu.memory_space<vmem>>) target_semaphore(%arg8 : memref<!tpu.dma_semaphore, #tpu.memory_space<semaphore_mem>>)
      } else {
      }
      %mul3A_385 = arith.constant 4 : i32
      %mul3A_386 = arith.muli %scan3A_236, %mul3A_385 : i32
      %add3A_387 = arith.constant 3 : i32
      %add3A_388 = arith.addi %mul3A_386, %add3A_387 : i32
      %dma_wait3A_389 = arith.constant 3 : i32
      %dma_wait3A_390 = arith.constant 0 : i32
      %dma_wait3A_391 = arith.constant 0 : i32
      %dma_wait3A_392 = tpu.memref_slice %arg5[%dma_wait3A_389, %dma_wait3A_390, %dma_wait3A_391] : memref<4x64x256xf32, #tpu.memory_space<vmem>> -> memref<1x64x256xf32, #tpu.memory_space<vmem>>
      %dma_wait3A_393 = tpu.memref_squeeze %dma_wait3A_392 : memref<1x64x256xf32, #tpu.memory_space<vmem>> -> memref<64x256xf32, #tpu.memory_space<vmem>>
      %dma_wait3A_394 = arith.constant 0 : i32
      %dma_wait3A_395 = arith.constant 0 : i32
      %dma_wait3A_396 = tpu.memref_slice %arg2[%add3A, %dma_wait3A_394, %dma_wait3A_395] : memref<32x4096x256xf32, #tpu.memory_space<hbm>> -> memref<1x64x256xf32, #tpu.memory_space<hbm>>
      %dma_wait3A_397 = tpu.memref_squeeze %dma_wait3A_396 : memref<1x64x256xf32, #tpu.memory_space<hbm>> -> memref<64x256xf32, #tpu.memory_space<hbm>>
      %dma_wait3A_398 = arith.constant 0 : i32
      %dma_wait3A_399 = arith.constant 0 : i32
      %dma_wait3A_400 = tpu.memref_slice %arg5[%dma_wait3A_389, %dma_wait3A_398, %dma_wait3A_399] : memref<4x64x256xf32, #tpu.memory_space<vmem>> -> memref<1x64x256xf32, #tpu.memory_space<vmem>>
      %dma_wait3A_401 = tpu.memref_squeeze %dma_wait3A_400 : memref<1x64x256xf32, #tpu.memory_space<vmem>> -> memref<64x256xf32, #tpu.memory_space<vmem>>
      %dma_wait3A_402 = arith.constant 0 : i32
      %dma_wait3A_403 = arith.constant 0 : i32
      %dma_wait3A_404 = tpu.memref_slice %arg2[%add3A, %dma_wait3A_402, %dma_wait3A_403] : memref<32x4096x256xf32, #tpu.memory_space<hbm>> -> memref<1x64x256xf32, #tpu.memory_space<hbm>>
      %dma_wait3A_405 = tpu.memref_squeeze %dma_wait3A_404 : memref<1x64x256xf32, #tpu.memory_space<hbm>> -> memref<64x256xf32, #tpu.memory_space<hbm>>
      tpu.wait_dma2 semaphore(%arg11 : memref<!tpu.dma_semaphore, #tpu.memory_space<semaphore_mem>>) src(%dma_wait3A_405 : memref<64x256xf32, #tpu.memory_space<hbm>>) dst(%dma_wait3A_401 : memref<64x256xf32, #tpu.memory_space<vmem>>)
      %mul3A_406 = arith.constant 64 : i32
      %mul3A_407 = arith.muli %add3A_388, %mul3A_406 : i32
      %dma_start3A_408 = arith.constant 3 : i32
      %dma_start3A_409 = arith.constant 0 : i32
      %dma_start3A_410 = arith.constant 0 : i32
      %dma_start3A_411 = tpu.memref_slice %arg5[%dma_start3A_408, %dma_start3A_409, %dma_start3A_410] : memref<4x64x256xf32, #tpu.memory_space<vmem>> -> memref<1x64x256xf32, #tpu.memory_space<vmem>>
      %dma_start3A_412 = tpu.memref_squeeze %dma_start3A_411 : memref<1x64x256xf32, #tpu.memory_space<vmem>> -> memref<64x256xf32, #tpu.memory_space<vmem>>
      %dma_start3A_413 = arith.constant 0 : i32
      %dma_start3A_414 = tpu.memref_slice %arg4[%add3A, %mul3A_407, %dma_start3A_413] : memref<32x4096x256xf32, #tpu.memory_space<hbm>> -> memref<1x64x256xf32, #tpu.memory_space<hbm>>
      %dma_start3A_415 = tpu.memref_squeeze %dma_start3A_414 : memref<1x64x256xf32, #tpu.memory_space<hbm>> -> memref<64x256xf32, #tpu.memory_space<hbm>>
      %dma_start3A_416 = arith.constant 0 : i32
      %dma_start3A_417 = tpu.memref_slice %arg4[%add3A, %mul3A_407, %dma_start3A_416] : memref<32x4096x256xf32, #tpu.memory_space<hbm>> -> memref<1x64x256xf32, #tpu.memory_space<hbm>>
      %dma_start3A_418 = tpu.memref_squeeze %dma_start3A_417 : memref<1x64x256xf32, #tpu.memory_space<hbm>> -> memref<64x256xf32, #tpu.memory_space<hbm>>
      %dma_start3A_419 = arith.constant 0 : i32
      %dma_start3A_420 = arith.constant 0 : i32
      %dma_start3A_421 = tpu.memref_slice %arg5[%dma_start3A_408, %dma_start3A_419, %dma_start3A_420] : memref<4x64x256xf32, #tpu.memory_space<vmem>> -> memref<1x64x256xf32, #tpu.memory_space<vmem>>
      %dma_start3A_422 = tpu.memref_squeeze %dma_start3A_421 : memref<1x64x256xf32, #tpu.memory_space<vmem>> -> memref<64x256xf32, #tpu.memory_space<vmem>>
      tpu.enqueue_dma source(%dma_start3A_422 : memref<64x256xf32, #tpu.memory_space<vmem>>) target(%dma_start3A_418 : memref<64x256xf32, #tpu.memory_space<hbm>>) target_semaphore(%arg15 : memref<!tpu.dma_semaphore, #tpu.memory_space<semaphore_mem>>)
      %sub3A_423 = arith.constant 2 : i32
      %sub3A_424 = arith.subi %add3A_388, %sub3A_423 : i32
      %ge3A_425 = arith.constant 0 : i32
      %ge3A_426 = arith.cmpi sge, %sub3A_424, %ge3A_425 : i32
      %add3A_427 = arith.constant 4 : i32
      %add3A_428 = arith.addi %sub3A_424, %add3A_427 : i32
      %lt3A_429 = arith.constant 64 : i32
      %lt3A_430 = arith.cmpi slt, %add3A_428, %lt3A_429 : i32
      %and3A_431 = arith.andi %ge3A_426, %lt3A_430 : i1
      %convert_element_type3A_432 = arith.extui %and3A_431 : i1 to i32
      %cond3A_433 = arith.constant 0 : i32
      %cond3A_434 = arith.cmpi ne, %convert_element_type3A_432, %cond3A_433 : i32
      scf.if %cond3A_434 {
        %dma_wait3A_436 = arith.constant 1 : i32
        %dma_wait3A_437 = arith.constant 0 : i32
        %dma_wait3A_438 = arith.constant 0 : i32
        %dma_wait3A_439 = tpu.memref_slice %arg5[%dma_wait3A_436, %dma_wait3A_437, %dma_wait3A_438] : memref<4x64x256xf32, #tpu.memory_space<vmem>> -> memref<1x64x256xf32, #tpu.memory_space<vmem>>
        %dma_wait3A_440 = tpu.memref_squeeze %dma_wait3A_439 : memref<1x64x256xf32, #tpu.memory_space<vmem>> -> memref<64x256xf32, #tpu.memory_space<vmem>>
        %dma_wait3A_441 = arith.constant 0 : i32
        %dma_wait3A_442 = arith.constant 0 : i32
        %dma_wait3A_443 = tpu.memref_slice %arg4[%add3A, %dma_wait3A_441, %dma_wait3A_442] : memref<32x4096x256xf32, #tpu.memory_space<hbm>> -> memref<1x64x256xf32, #tpu.memory_space<hbm>>
        %dma_wait3A_444 = tpu.memref_squeeze %dma_wait3A_443 : memref<1x64x256xf32, #tpu.memory_space<hbm>> -> memref<64x256xf32, #tpu.memory_space<hbm>>
        %dma_wait3A_445 = arith.constant 0 : i32
        %dma_wait3A_446 = arith.constant 0 : i32
        %dma_wait3A_447 = tpu.memref_slice %arg4[%add3A, %dma_wait3A_445, %dma_wait3A_446] : memref<32x4096x256xf32, #tpu.memory_space<hbm>> -> memref<1x64x256xf32, #tpu.memory_space<hbm>>
        %dma_wait3A_448 = tpu.memref_squeeze %dma_wait3A_447 : memref<1x64x256xf32, #tpu.memory_space<hbm>> -> memref<64x256xf32, #tpu.memory_space<hbm>>
        %dma_wait3A_449 = arith.constant 0 : i32
        %dma_wait3A_450 = arith.constant 0 : i32
        %dma_wait3A_451 = tpu.memref_slice %arg5[%dma_wait3A_436, %dma_wait3A_449, %dma_wait3A_450] : memref<4x64x256xf32, #tpu.memory_space<vmem>> -> memref<1x64x256xf32, #tpu.memory_space<vmem>>
        %dma_wait3A_452 = tpu.memref_squeeze %dma_wait3A_451 : memref<1x64x256xf32, #tpu.memory_space<vmem>> -> memref<64x256xf32, #tpu.memory_space<vmem>>
        tpu.wait_dma2 semaphore(%arg13 : memref<!tpu.dma_semaphore, #tpu.memory_space<semaphore_mem>>) src(%dma_wait3A_452 : memref<64x256xf32, #tpu.memory_space<vmem>>) dst(%dma_wait3A_448 : memref<64x256xf32, #tpu.memory_space<hbm>>)
        %add3A_453 = arith.constant 4 : i32
        %add3A_454 = arith.addi %sub3A_424, %add3A_453 : i32
        %mul3A_455 = arith.constant 64 : i32
        %mul3A_456 = arith.muli %add3A_454, %mul3A_455 : i32
        %dma_start3A_457 = arith.constant 1 : i32
        %dma_start3A_458 = arith.constant 0 : i32
        %dma_start3A_459 = arith.constant 0 : i32
        %dma_start3A_460 = tpu.memref_slice %arg5[%dma_start3A_457, %dma_start3A_458, %dma_start3A_459] : memref<4x64x256xf32, #tpu.memory_space<vmem>> -> memref<1x64x256xf32, #tpu.memory_space<vmem>>
        %dma_start3A_461 = tpu.memref_squeeze %dma_start3A_460 : memref<1x64x256xf32, #tpu.memory_space<vmem>> -> memref<64x256xf32, #tpu.memory_space<vmem>>
        %dma_start3A_462 = arith.constant 0 : i32
        %dma_start3A_463 = tpu.memref_slice %arg2[%add3A, %mul3A_456, %dma_start3A_462] : memref<32x4096x256xf32, #tpu.memory_space<hbm>> -> memref<1x64x256xf32, #tpu.memory_space<hbm>>
        %dma_start3A_464 = tpu.memref_squeeze %dma_start3A_463 : memref<1x64x256xf32, #tpu.memory_space<hbm>> -> memref<64x256xf32, #tpu.memory_space<hbm>>
        %dma_start3A_465 = arith.constant 0 : i32
        %dma_start3A_466 = arith.constant 0 : i32
        %dma_start3A_467 = tpu.memref_slice %arg5[%dma_start3A_457, %dma_start3A_465, %dma_start3A_466] : memref<4x64x256xf32, #tpu.memory_space<vmem>> -> memref<1x64x256xf32, #tpu.memory_space<vmem>>
        %dma_start3A_468 = tpu.memref_squeeze %dma_start3A_467 : memref<1x64x256xf32, #tpu.memory_space<vmem>> -> memref<64x256xf32, #tpu.memory_space<vmem>>
        %dma_start3A_469 = arith.constant 0 : i32
        %dma_start3A_470 = tpu.memref_slice %arg2[%add3A, %mul3A_456, %dma_start3A_469] : memref<32x4096x256xf32, #tpu.memory_space<hbm>> -> memref<1x64x256xf32, #tpu.memory_space<hbm>>
        %dma_start3A_471 = tpu.memref_squeeze %dma_start3A_470 : memref<1x64x256xf32, #tpu.memory_space<hbm>> -> memref<64x256xf32, #tpu.memory_space<hbm>>
        tpu.enqueue_dma source(%dma_start3A_471 : memref<64x256xf32, #tpu.memory_space<hbm>>) target(%dma_start3A_468 : memref<64x256xf32, #tpu.memory_space<vmem>>) target_semaphore(%arg9 : memref<!tpu.dma_semaphore, #tpu.memory_space<semaphore_mem>>)
      } else {
      }
      %scan3A_435 = arith.constant 0 : i32
      scf.yield %scan3A_435 : i32
    }
    %scan3A_168 = arith.constant 16 : i32
    %dma_wait3A = arith.constant 0 : i32
    %dma_wait3A_169 = arith.constant 0 : i32
    %dma_wait3A_170 = arith.constant 0 : i32
    %dma_wait3A_171 = tpu.memref_slice %arg5[%dma_wait3A, %dma_wait3A_169, %dma_wait3A_170] : memref<4x64x256xf32, #tpu.memory_space<vmem>> -> memref<1x64x256xf32, #tpu.memory_space<vmem>>
    %dma_wait3A_172 = tpu.memref_squeeze %dma_wait3A_171 : memref<1x64x256xf32, #tpu.memory_space<vmem>> -> memref<64x256xf32, #tpu.memory_space<vmem>>
    %dma_wait3A_173 = arith.constant 0 : i32
    %dma_wait3A_174 = arith.constant 0 : i32
    %dma_wait3A_175 = tpu.memref_slice %arg4[%add3A, %dma_wait3A_173, %dma_wait3A_174] : memref<32x4096x256xf32, #tpu.memory_space<hbm>> -> memref<1x64x256xf32, #tpu.memory_space<hbm>>
    %dma_wait3A_176 = tpu.memref_squeeze %dma_wait3A_175 : memref<1x64x256xf32, #tpu.memory_space<hbm>> -> memref<64x256xf32, #tpu.memory_space<hbm>>
    %dma_wait3A_177 = arith.constant 0 : i32
    %dma_wait3A_178 = arith.constant 0 : i32
    %dma_wait3A_179 = tpu.memref_slice %arg4[%add3A, %dma_wait3A_177, %dma_wait3A_178] : memref<32x4096x256xf32, #tpu.memory_space<hbm>> -> memref<1x64x256xf32, #tpu.memory_space<hbm>>
    %dma_wait3A_180 = tpu.memref_squeeze %dma_wait3A_179 : memref<1x64x256xf32, #tpu.memory_space<hbm>> -> memref<64x256xf32, #tpu.memory_space<hbm>>
    %dma_wait3A_181 = arith.constant 0 : i32
    %dma_wait3A_182 = arith.constant 0 : i32
    %dma_wait3A_183 = tpu.memref_slice %arg5[%dma_wait3A, %dma_wait3A_181, %dma_wait3A_182] : memref<4x64x256xf32, #tpu.memory_space<vmem>> -> memref<1x64x256xf32, #tpu.memory_space<vmem>>
    %dma_wait3A_184 = tpu.memref_squeeze %dma_wait3A_183 : memref<1x64x256xf32, #tpu.memory_space<vmem>> -> memref<64x256xf32, #tpu.memory_space<vmem>>
    tpu.wait_dma2 semaphore(%arg12 : memref<!tpu.dma_semaphore, #tpu.memory_space<semaphore_mem>>) src(%dma_wait3A_184 : memref<64x256xf32, #tpu.memory_space<vmem>>) dst(%dma_wait3A_180 : memref<64x256xf32, #tpu.memory_space<hbm>>)
    %dma_wait3A_185 = arith.constant 1 : i32
    %dma_wait3A_186 = arith.constant 0 : i32
    %dma_wait3A_187 = arith.constant 0 : i32
    %dma_wait3A_188 = tpu.memref_slice %arg5[%dma_wait3A_185, %dma_wait3A_186, %dma_wait3A_187] : memref<4x64x256xf32, #tpu.memory_space<vmem>> -> memref<1x64x256xf32, #tpu.memory_space<vmem>>
    %dma_wait3A_189 = tpu.memref_squeeze %dma_wait3A_188 : memref<1x64x256xf32, #tpu.memory_space<vmem>> -> memref<64x256xf32, #tpu.memory_space<vmem>>
    %dma_wait3A_190 = arith.constant 0 : i32
    %dma_wait3A_191 = arith.constant 0 : i32
    %dma_wait3A_192 = tpu.memref_slice %arg4[%add3A, %dma_wait3A_190, %dma_wait3A_191] : memref<32x4096x256xf32, #tpu.memory_space<hbm>> -> memref<1x64x256xf32, #tpu.memory_space<hbm>>
    %dma_wait3A_193 = tpu.memref_squeeze %dma_wait3A_192 : memref<1x64x256xf32, #tpu.memory_space<hbm>> -> memref<64x256xf32, #tpu.memory_space<hbm>>
    %dma_wait3A_194 = arith.constant 0 : i32
    %dma_wait3A_195 = arith.constant 0 : i32
    %dma_wait3A_196 = tpu.memref_slice %arg4[%add3A, %dma_wait3A_194, %dma_wait3A_195] : memref<32x4096x256xf32, #tpu.memory_space<hbm>> -> memref<1x64x256xf32, #tpu.memory_space<hbm>>
    %dma_wait3A_197 = tpu.memref_squeeze %dma_wait3A_196 : memref<1x64x256xf32, #tpu.memory_space<hbm>> -> memref<64x256xf32, #tpu.memory_space<hbm>>
    %dma_wait3A_198 = arith.constant 0 : i32
    %dma_wait3A_199 = arith.constant 0 : i32
    %dma_wait3A_200 = tpu.memref_slice %arg5[%dma_wait3A_185, %dma_wait3A_198, %dma_wait3A_199] : memref<4x64x256xf32, #tpu.memory_space<vmem>> -> memref<1x64x256xf32, #tpu.memory_space<vmem>>
    %dma_wait3A_201 = tpu.memref_squeeze %dma_wait3A_200 : memref<1x64x256xf32, #tpu.memory_space<vmem>> -> memref<64x256xf32, #tpu.memory_space<vmem>>
    tpu.wait_dma2 semaphore(%arg13 : memref<!tpu.dma_semaphore, #tpu.memory_space<semaphore_mem>>) src(%dma_wait3A_201 : memref<64x256xf32, #tpu.memory_space<vmem>>) dst(%dma_wait3A_197 : memref<64x256xf32, #tpu.memory_space<hbm>>)
    %dma_wait3A_202 = arith.constant 2 : i32
    %dma_wait3A_203 = arith.constant 0 : i32
    %dma_wait3A_204 = arith.constant 0 : i32
    %dma_wait3A_205 = tpu.memref_slice %arg5[%dma_wait3A_202, %dma_wait3A_203, %dma_wait3A_204] : memref<4x64x256xf32, #tpu.memory_space<vmem>> -> memref<1x64x256xf32, #tpu.memory_space<vmem>>
    %dma_wait3A_206 = tpu.memref_squeeze %dma_wait3A_205 : memref<1x64x256xf32, #tpu.memory_space<vmem>> -> memref<64x256xf32, #tpu.memory_space<vmem>>
    %dma_wait3A_207 = arith.constant 0 : i32
    %dma_wait3A_208 = arith.constant 0 : i32
    %dma_wait3A_209 = tpu.memref_slice %arg4[%add3A, %dma_wait3A_207, %dma_wait3A_208] : memref<32x4096x256xf32, #tpu.memory_space<hbm>> -> memref<1x64x256xf32, #tpu.memory_space<hbm>>
    %dma_wait3A_210 = tpu.memref_squeeze %dma_wait3A_209 : memref<1x64x256xf32, #tpu.memory_space<hbm>> -> memref<64x256xf32, #tpu.memory_space<hbm>>
    %dma_wait3A_211 = arith.constant 0 : i32
    %dma_wait3A_212 = arith.constant 0 : i32
    %dma_wait3A_213 = tpu.memref_slice %arg4[%add3A, %dma_wait3A_211, %dma_wait3A_212] : memref<32x4096x256xf32, #tpu.memory_space<hbm>> -> memref<1x64x256xf32, #tpu.memory_space<hbm>>
    %dma_wait3A_214 = tpu.memref_squeeze %dma_wait3A_213 : memref<1x64x256xf32, #tpu.memory_space<hbm>> -> memref<64x256xf32, #tpu.memory_space<hbm>>
    %dma_wait3A_215 = arith.constant 0 : i32
    %dma_wait3A_216 = arith.constant 0 : i32
    %dma_wait3A_217 = tpu.memref_slice %arg5[%dma_wait3A_202, %dma_wait3A_215, %dma_wait3A_216] : memref<4x64x256xf32, #tpu.memory_space<vmem>> -> memref<1x64x256xf32, #tpu.memory_space<vmem>>
    %dma_wait3A_218 = tpu.memref_squeeze %dma_wait3A_217 : memref<1x64x256xf32, #tpu.memory_space<vmem>> -> memref<64x256xf32, #tpu.memory_space<vmem>>
    tpu.wait_dma2 semaphore(%arg14 : memref<!tpu.dma_semaphore, #tpu.memory_space<semaphore_mem>>) src(%dma_wait3A_218 : memref<64x256xf32, #tpu.memory_space<vmem>>) dst(%dma_wait3A_214 : memref<64x256xf32, #tpu.memory_space<hbm>>)
    %dma_wait3A_219 = arith.constant 3 : i32
    %dma_wait3A_220 = arith.constant 0 : i32
    %dma_wait3A_221 = arith.constant 0 : i32
    %dma_wait3A_222 = tpu.memref_slice %arg5[%dma_wait3A_219, %dma_wait3A_220, %dma_wait3A_221] : memref<4x64x256xf32, #tpu.memory_space<vmem>> -> memref<1x64x256xf32, #tpu.memory_space<vmem>>
    %dma_wait3A_223 = tpu.memref_squeeze %dma_wait3A_222 : memref<1x64x256xf32, #tpu.memory_space<vmem>> -> memref<64x256xf32, #tpu.memory_space<vmem>>
    %dma_wait3A_224 = arith.constant 0 : i32
    %dma_wait3A_225 = arith.constant 0 : i32
    %dma_wait3A_226 = tpu.memref_slice %arg4[%add3A, %dma_wait3A_224, %dma_wait3A_225] : memref<32x4096x256xf32, #tpu.memory_space<hbm>> -> memref<1x64x256xf32, #tpu.memory_space<hbm>>
    %dma_wait3A_227 = tpu.memref_squeeze %dma_wait3A_226 : memref<1x64x256xf32, #tpu.memory_space<hbm>> -> memref<64x256xf32, #tpu.memory_space<hbm>>
    %dma_wait3A_228 = arith.constant 0 : i32
    %dma_wait3A_229 = arith.constant 0 : i32
    %dma_wait3A_230 = tpu.memref_slice %arg4[%add3A, %dma_wait3A_228, %dma_wait3A_229] : memref<32x4096x256xf32, #tpu.memory_space<hbm>> -> memref<1x64x256xf32, #tpu.memory_space<hbm>>
    %dma_wait3A_231 = tpu.memref_squeeze %dma_wait3A_230 : memref<1x64x256xf32, #tpu.memory_space<hbm>> -> memref<64x256xf32, #tpu.memory_space<hbm>>
    %dma_wait3A_232 = arith.constant 0 : i32
    %dma_wait3A_233 = arith.constant 0 : i32
    %dma_wait3A_234 = tpu.memref_slice %arg5[%dma_wait3A_219, %dma_wait3A_232, %dma_wait3A_233] : memref<4x64x256xf32, #tpu.memory_space<vmem>> -> memref<1x64x256xf32, #tpu.memory_space<vmem>>
    %dma_wait3A_235 = tpu.memref_squeeze %dma_wait3A_234 : memref<1x64x256xf32, #tpu.memory_space<vmem>> -> memref<64x256xf32, #tpu.memory_space<vmem>>
    tpu.wait_dma2 semaphore(%arg15 : memref<!tpu.dma_semaphore, #tpu.memory_space<semaphore_mem>>) src(%dma_wait3A_235 : memref<64x256xf32, #tpu.memory_space<vmem>>) dst(%dma_wait3A_231 : memref<64x256xf32, #tpu.memory_space<hbm>>)
    return
  }
}

</mosaic_0001>

<sc_bundles>
// kernel: kernel.3.cloned.1.call-start
scs
__scs_entry_jumppad:
0x0: {  	(pc) =	sbr.rel $0x88, $3  }
0x1: {  	(tag) =	ssettag $0x0;
	lr =	simm.s32 $0x1  }
0x2: {  	[smem:$0x3FA0] =	sst lr;
	_ =	strace $0xD0000000  }
0x3: {  	_ = 	snop  }
0x4: {  	_ = 	snop  }
0x5: {  	_ = 	snop  }
0x6: {  	_ = 	snop  }
0x7: {  	_ = 	snop  }
__scs_overlays_trampoline_lowered:
0x8: {  	[smem:$0x3FAF] =	sst s0  }
0x9: {  	[smem:$0x3FB0] =	sst s1  }
0xa: {  	[smem:$0x3FB1] =	sst s2  }
0xb: {  	[smem:$0x3FB2] =	sst s3  }
0xc: {  	[smem:$0x3FB3] =	sst s4  }
0xd: {  	[smem:$0x3FB4] =	sst s5  }
0xe: {  	[smem:$0x3FB5] =	sst s6  }
0xf: {  	[smem:$0x3FB6] =	sst s7  }
0x10: {  	[smem:$0x3FB7] =	sst s8  }
0x11: {  	[smem:$0x3FB8] =	sst s9;
	s0 =	simm.s32 @!p0 $0x0  }
0x12: {  	s1 =	sld [smem:$0x3F9E];
	s0 =	simm.s32 @p0 $0x1  }
0x13: {  	[smem:$0x3FB9] =	sst s0;
	s0 =	simm.s32 @!p1 $0x0  }
0x14: {  	s2 =	sld [smem:$0x3F9D];
	s0 =	simm.s32 @p1 $0x1  }
0x15: {  	[smem:$0x3FBA] =	sst s0;
	s0 =	simm.s32 @!p2 $0x0  }
0x16: {  	s3 =	sld [smem:$0x3FDB];
	s0 =	simm.s32 @p2 $0x1  }
0x17: {  	s4 =	simm.s32 $0x1BF5;
	[smem:$0x3FBC] =	sst s0  }
0x18: {  	s0 =	sld [smem:$0x3F9F];
	_ =	swait.ge [sflag:s4], $0x0  }
0x19: {  	s7 =	sld [smem:$0x3FA0]  }
0x1a: {  	s8 =	sadd.s32 $0xFFFFE003, lr  }
0x1b: {  	s9 =	sadd.s32 $0xFFFFFEF7, lr;
	s5 =	simm.s32 $0xFFFFFFFF;
	p2 =	slt.u32 s8, $0xFFFFF086  }
0x1c: {  	p1 =	slt.u32 s9, $0xF7A;
	s5 =	simm.s32 @!p2 $0x0  }
0x1d: {  	s5 =	simm.s32 @p1 $0x1;
	p0 =	seq.s32 s7, s2  }
0x1e: {  	s7 =	smul.u32 @!p0 $0xF7A, s2;
	p2 =	seq.s32 @!p0 s5, $0x0  }
0x1f: {  	s9 =	smul.u32 $0xF7A, s1;
	s8 =	simm.s32 @!p0 $0x1BF5;
	p2 =	por !p2, p0  }
0x20: {  	[sflag:s8] =	ssyncset.s32 @!p0 $0xFFFFF086;
	s6 =	sadd.s32 @!p0 s3, s7;
	s7 =	simm.s32 @!p0 $0x108  }
0x21: {  	s3 =	sadd.s32 s3, s9;
	s6 =	sadd.s32 @!p0 $0x88, s6;
	s7 =	simm.s32 @p2 $0x1082  }
0x22: {  	[simem:s7], [sflag:s8] =	dma.local @!p0 [hbm:s6], $0xF7A  }
0x23: {  	s9 =	sor.u32 $0xD0000000, s2;
	s6 =	simm.s32 $0x108;
	_ =	swait.ge @!p0 [sflag:s8], $0x0  }
0x24: {  	s3 =	sadd.s32 $0x88, s3;
	s6 =	simm.s32 @!p1 $0x1082;
	[sflag:s4] =	ssyncset.s32 $0xFFFFF086  }
0x25: {  	[simem:s6], [sflag:s4] =	dma.local [hbm:s3], $0xF7A  }
0x26: {  	[smem:$0x3FA0] =	sst s1;
	(tag) =	ssettag s2;
	_ =	strace s9  }
0x27: {  	s1 =	sld [smem:$0x3FB0]  }
0x28: {  	s2 =	sld [smem:$0x3FB1]  }
0x29: {  	s4 =	sld [smem:$0x3FB3]  }
0x2a: {  	p0 =	seq.s32 s5, $0x0;
	s5 =	sld [smem:$0x3FB4]  }
0x2b: {  	s6 =	sld [smem:$0x3FB5]  }
0x2c: {  	s7 =	sld [smem:$0x3FB6]  }
0x2d: {  	s3 =	simm.s32 $0x108;
	s8 =	sld [smem:$0x3FB7]  }
0x2e: {  	s3 =	simm.s32 @!p0 $0x1082;
	s9 =	sld [smem:$0x3FB8]  }
0x2f: {  	lr =	sadd.s32 s0, s3;
	s0 =	sld [smem:$0x3FAF]  }
0x30: {  	s3 =	sld [smem:$0x3FB2]  }
0x31: {  	[smem:$0x3FBB] =	sst s10  }
0x32: {  	s10 =	sld [smem:$0x3FB9];
	_ =	sdelay $0x3  }
0x33: {  	p0 =	seq.s32 s10, $0x1;
	s10 =	sld [smem:$0x3FBB];
	_ =	sdelay $0x3  }
0x34: {  	[smem:$0x3FBB] =	sst s10  }
0x35: {  	s10 =	sld [smem:$0x3FBA];
	_ =	sdelay $0x3  }
0x36: {  	p1 =	seq.s32 s10, $0x1;
	s10 =	sld [smem:$0x3FBB];
	_ =	sdelay $0x3  }
0x37: {  	[smem:$0x3FBB] =	sst s10  }
0x38: {  	s10 =	sld [smem:$0x3FBC]  }
0x39: {  	_ = 	snop;
	(pc) =	sbr.ind lr, $3  }
0x3a: {  	_ = 	snop  }
0x3b: {  	_ = 	snop  }
0x3c: {  	p2 =	seq.s32 s10, $0x1;
	s10 =	sld [smem:$0x3FBB]  }
0x3d: {  	_ =	shalt  }
0x3e: {  	_ =	shalt  }
0x3f: {  	_ =	shalt  }
0x40: {  	_ =	shalt  }
0x41: {  	_ =	shalt  }
0x42: {  	_ =	shalt  }
0x43: {  	_ =	shalt  }
0x44: {  	_ =	shalt  }
0x45: {  	_ =	shalt  }
0x46: {  	_ =	shalt  }
0x47: {  	_ =	shalt  }
0x48: {  	_ =	shalt  }
0x49: {  	_ =	shalt  }
0x4a: {  	_ =	shalt  }
0x4b: {  	_ =	shalt  }
0x4c: {  	_ =	shalt  }
0x4d: {  	_ =	shalt  }
0x4e: {  	_ =	shalt  }
0x4f: {  	_ =	shalt  }
0x50: {  	_ =	shalt  }
0x51: {  	_ =	shalt  }
0x52: {  	_ =	shalt  }
0x53: {  	_ =	shalt  }
0x54: {  	_ =	shalt  }
0x55: {  	_ =	shalt  }
0x56: {  	_ =	shalt  }
0x57: {  	_ =	shalt  }
0x58: {  	_ =	shalt  }
0x59: {  	_ =	shalt  }
0x5a: {  	_ =	shalt  }
0x5b: {  	_ =	shalt  }
0x5c: {  	_ =	shalt  }
0x5d: {  	_ =	shalt  }
0x5e: {  	_ =	shalt  }
0x5f: {  	_ =	shalt  }
0x60: {  	_ =	shalt  }
0x61: {  	_ =	shalt  }
0x62: {  	_ =	shalt  }
0x63: {  	_ =	shalt  }
0x64: {  	_ =	shalt  }
0x65: {  	_ =	shalt  }
0x66: {  	_ =	shalt  }
0x67: {  	_ =	shalt  }
0x68: {  	_ =	shalt  }
0x69: {  	_ =	shalt  }
0x6a: {  	_ =	shalt  }
0x6b: {  	_ =	shalt  }
0x6c: {  	_ =	shalt  }
0x6d: {  	_ =	shalt  }
0x6e: {  	_ =	shalt  }
0x6f: {  	_ =	shalt  }
0x70: {  	_ =	shalt  }
0x71: {  	_ =	shalt  }
0x72: {  	_ =	shalt  }
0x73: {  	_ =	shalt  }
0x74: {  	_ =	shalt  }
0x75: {  	_ =	shalt  }
0x76: {  	_ =	shalt  }
0x77: {  	_ =	shalt  }
0x78: {  	_ =	shalt  }
0x79: {  	_ =	shalt  }
0x7a: {  	_ =	shalt  }
0x7b: {  	_ =	shalt  }
0x7c: {  	_ =	shalt  }
0x7d: {  	_ =	shalt  }
0x7e: {  	_ =	shalt  }
0x7f: {  	_ =	shalt  }
0x80: {  	_ =	shalt  }
0x81: {  	_ =	shalt  }
0x82: {  	_ =	shalt  }
0x83: {  	_ =	shalt  }
0x84: {  	_ =	shalt  }
0x85: {  	_ =	shalt  }
0x86: {  	_ =	shalt  }
0x87: {  	_ =	shalt  }
.Lfunc_end0:
.L_simem_size_0:
called_computation_lowered:
.L_overlay_start_0:
0x88: {  	s2 =	sld [smem:$0x3FD9]  }
0x89: {  	s3 =	sld [smem:$0x3FFE];
	_ =	sdelay $0x1  }
0x8a: {  	s1 =	srdreg.scid  }
0x8b: {  	s0 =	sand.u32 $0x1, s1  }
0x8c: {  	s17 =	sshll.u32 s0, $0xA;
	s2 =	sadd.s32 s3, s2  }
0x8d: {  	s2 =	sadd.s32 s2, s17  }
0x8e: {  	[smem:$0x3FC7] =	sst s2  }
0x8f: {  	_ = 	snop  }
0x90: {  	s2 =	sld [smem:$0x3FC9]  }
0x91: {  	s18 =	sld [smem:$0x3FD0];
	(tm) =	ssettm $0x1  }
0x92: {  	s4 =	sld [smem:$0x3FFB];
	_ =	sdelay $0x3  }
0x93: {  	_ =	strace s4  }
0x94: {  	s4 =	sld [smem:$0x3FFC];
	_ =	sdelay $0x3  }
0x95: {  	_ =	strace s4  }
0x96: {  	s4 =	sld [smem:$0x3FFD];
	_ =	sdelay $0x3  }
0x97: {  	_ =	strace s4  }
0x98: {  	_ =	strace $0x8FFFFFFF  }
0x99: {  	s19 =	sld [smem:$0x3FDB];
	_ =	sdelay $0x1  }
0x9a: {  	s5 =	simm.s32 $_scs_section_size  }
0x9b: {  	s6 =	simm.s32 $_size__tile_overlayer_lowered;
	s7 =	simm.s32 $_tile_overlayer_lowered  }
0x9c: {  	s22 =	simm.s32 $0x1BFF;
	s21 =	sshll.u32 s7, $0x1;
	s4 =	sadd.s32 s5, s19  }
0x9d: {  	s8 =	simm.s32 $0x0;
	s20 =	sshll.u32 s6, $0x1;
	s6 =	sadd.s32 s21, s4  }
0x9e: {  	[timem:s8], [sflag:s22] =	dma.local [hbm:s6], s20  }
0x9f: {  	_ =	swait.ge [sflag:s22], s20  }
0xa0: {  	s5 =	ssub.s32 $0x0, s20;
	[sflag:s22] =	ssyncset.done $0x0  }
0xa1: {  	[sflag:s22] =	ssyncadd.s32 s5;
	_ =	sdelay $0x1  }
0xa2: {  	s23 =	simm.s32 $0x1B8B  }
0xa3: {  	_ =	swait.ge [sflag:s23], $0x1  }
0xa4: {  	[sflag:s23] =	ssyncset.done $0x0  }
0xa5: {  	s25 =	simm.s32 $0x1B8E;
	s24 =	sld [smem:$0x3FFE];
	[sflag:s23] =	ssyncadd.s32 $0xFFFFFFFF  }
0xa6: {  	s26 =	simm.s32 $execute0_lowered;
	[smem:$0x3FD2] =	sst s25  }
0xa7: {  	s6 =	sshll.u32 s26, $0x1;
	_ =	strace $0x80000046;
	[dreg:$0x1] =	wrdreg $0xFFFFFFFF  }
0xa8: {  	s28 =	simm.s32 $_size_execute0_lowered;
	s4 =	sadd.s32 s4, s6;
	[dreg:$0x0] =	wrdreg $0x0  }
0xa9: {  	s6 =	sshll.u32 s28, $0x1;
	[dreg:$0x2] =	wrdreg s4  }
0xaa: {  	[dreg:$0x3] =	wrdreg s6  }
0xab: {  	[dreg:$0x4] =	wrdreg $0xC0  }
0xac: {  	_ =	task [dreg:s8], $0x5FFFF  }
0xad: {  	[dreg:$0x1] =	wrdreg $0xFFFFFFFF  }
0xae: {  	[dreg:$0x0] =	wrdreg $0x60  }
0xaf: {  	[dreg:$0x2] =	wrdreg s2  }
0xb0: {  	[dreg:$0x3] =	wrdreg s24  }
0xb1: {  	[dreg:$0x4] =	wrdreg s18  }
0xb2: {  	[dreg:$0x5] =	wrdreg $0x9  }
0xb3: {  	_ =	task.clear_ibuf [dreg:s8], $0x6FFFF;
	_ =	strace $0x90000046  }
0xb4: {  	s29 =	simm.s32 $0x9;
	_ =	strace $0x80000048  }
0xb5: {  	_ =	swait.ge [sflag:s29], $0x1  }
0xb6: {  	[sflag:s29] =	ssyncadd.s32 $0xFFFFFFFF  }
0xb7: {  	_ =	strace $0x90000048  }
0xb8: {  	_ =	sfence  }
0xb9: {  	s30 =	sld [smem:$0x0];
	_ =	sdelay $0x2  }
0xba: {  	s31 =	sshll.u32 s1, $0xD;
	s1 =	sshrl.u32 s1, $0x2  }
0xbb: {  	s3 =	sand.u32 $0x4000, s31;
	s1 =	sadd.s32 s1, s30  }
0xbc: {  	s0 =	sor.u32 s3, s0;
	s1 =	sshll.u32 s1, $0x11  }
0xbd: {  	s0 =	sor.u32 s1, s0  }
0xbe: {  	s0 =	sadd.s32 $0x8F2B, s0  }
0xbf: {  	[sflag:s0] =	ssyncadd.remote.s32 $0x1  }
0xc0: {  	_ =	sfence.sel $0xFFFF  }
0xc1: {  	[dreg:$0x0] =	wrdreg $0xFFFFFFFF;
	(pc) =	sbr.abs _section_cstart, $3  }
0xc2: {  	[dreg:$0x1] =	wrdreg $0xFFFFFFFF  }
0xc3: {  	_ =	task.clear_ibuf [dreg:s8], $0x2FFFF;
	_ =	strace $0x9FFFFFFF  }
0xc4: {  	(tm) =	ssettm $0x7FFFFFFF  }
0xc5: {  	_ =	shalt  }
tec
execute0_lowered:
.L_overlay_start_1:
0x0: {  	(tag) =	ssettag $0x1  }
0x1: {  	s14 =	rddreg [dreg:$0x0]  }
0x2: {  	s3 =	rddreg [dreg:$0x1]  }
0x3: {  	s15 =	rddreg [dreg:$0x2];
	s2 =	srdreg.scid  }
0x4: {  	s0 =	stileid.u32;
	s17 =	simm.s32 $0x1;
	s18 =	simm.s32 $0x4000  }
0x5: {  	s19 =	simm.s32 $0x8000;
	s20 =	simm.s32 $0xC000;
	s21 =	simm.s32 $0x2  }
0x6: {  	s22 =	simm.s32 $0x3;
	s23 =	simm.s32 $0x4;
	s24 =	simm.s32 $0x5  }
0x7: {  	s25 =	simm.s32 $0x6;
	s28 =	simm.s32 $0x8;
	s29 =	simm.s32 $0x9  }
0x8: {  	s30 =	simm.s32 $0x0;
	s4 =	sand.u32 $0x1, s2;
	s2 =	simm.s32 $0x0  }
0x9: {  	s5 =	sshll.u32 s0, $0x15;
	s31 =	sadd.s32 $0x1800, s3;
	s6 =	sshll.u32 s4, $0x14  }
0xa: {  	[smem:$0x7FF] =	sst s2;
	s4 =	ssub.s32 $0x2, s4;
	s11 =	sor.u32 s6, s5  }
0xb: {  	_ =	strace $0x80000047;
	s26 =	sshrl.u32 s4, $0x1;
	[dreg:$0x4] =	wrdreg s31  }
0xc: {  	s12 =	sshrl.u32 s11, $0x3;
	s8 =	ssub.s32 s4, s26;
	s9 =	sor.u32 $0x14000, s11  }
0xd: {  	s10 =	sor.u32 $0x10000, s11;
	s13 =	sor.u32 $0xC000, s11;
	s16 =	sor.u32 $0x8000, s11  }
0xe: {  	s26 =	simm.s32 $0x7;
	s4 =	sadd.s32 s14, s12;
	s9 =	sshrl.u32 s9, $0x3  }
.Ltmp0:
0xf: {  	s8 =	smax.u32 s8, $0x1;
	s10 =	sshrl.u32 s10, $0x3;
	(pc) =	sbr.rel .LBB2_1-.Ltmp0, $4  }
0x10: {  	s11 =	sadd.s32 s12, s15;
	s13 =	sshrl.u32 s13, $0x3;
	s16 =	sshrl.u32 s16, $0x3  }
0x11: {  	s5 =	sadd.s32 $0x800, s4;
	s6 =	sadd.s32 $0x1000, s4;
	s7 =	sadd.s32 $0x1800, s4  }
0x12: {  	s9 =	sadd.s32 s9, s14;
	s10 =	sadd.s32 s10, s14;
	s12 =	sadd.s32 s13, s14  }
0x13: {  	s13 =	sadd.s32 s13, s15;
	s14 =	sadd.s32 s16, s14;
	s15 =	sadd.s32 s16, s15  }
.LBB2_4:
0x14: {  	_ =	swait.ge [sflag:s25], $0x4000  }
0x15: {  	[sflag:s25] =	ssyncset.done $0x0  }
0x16: {  	[sflag:s25] =	ssyncadd.s32 $0xFFFFC000  }
0x17: {  	_ =	swait.ge [sflag:s26], $0x4000  }
0x18: {  	[sflag:s26] =	ssyncset.done $0x0  }
0x19: {  	s30 =	sadd.s32 $0x1, s30;
	[sflag:s26] =	ssyncadd.s32 $0xFFFFC000  }
0x1a: {  	p0 =	sne.s32 s30, s8;
	_ =	swait.ge [sflag:s28], $0x4000  }
.Ltmp1:
0x1b: {  	[sflag:s28] =	ssyncset.done $0x0;
	(pc) =	sbr.rel @!p0 .LBB2_5-.Ltmp1, $4  }
0x1c: {  	[sflag:s28] =	ssyncadd.s32 $0xFFFFC000  }
0x1d: {  	_ =	swait.ge [sflag:s29], $0x4000  }
0x1e: {  	[sflag:s29] =	ssyncset.done $0x0  }
0x1f: {  	[sflag:s29] =	ssyncadd.s32 $0xFFFFC000  }
.LBB2_1:
0x20: {  	s0 =	rddreg [dreg:$0x4];
	s1 =	simm.s32 $0x10000  }
0x21: {  	[tilespmem:s1], [sflag:$0x1] =	stream.linear.gather [hbm4b:s0+s2], $0x400, $0x38;
	[tilespmem:$0x10400] =	vst v63  }
0x22: {  	_ =	swait.ge [sflag:s17], $0x400  }
0x23: {  	[sflag:s17] =	ssyncset.done $0x0  }
0x24: {  	[sflag:s17] =	ssyncadd.s32 $0xFFFFFC00  }
0x25: {  	[tilespmem:s2], [sflag:$0x2] =	stream.linear.gather [hbm4b:s4+s2], $0x4000, $0x38;
	[tilespmem:$0x10400] =	vst v63  }
0x26: {  	_ = 	snop  }
0x27: {  	[tilespmem:s18], [sflag:$0x3] =	stream.linear.gather [hbm4b:s5+s2], $0x4000, $0x38;
	[tilespmem:$0x10400] =	vst v63  }
0x28: {  	_ = 	snop  }
0x29: {  	[tilespmem:s19], [sflag:$0x4] =	stream.linear.gather [hbm4b:s6+s2], $0x4000, $0x38;
	[tilespmem:$0x10400] =	vst v63  }
0x2a: {  	s31 =	simm.s32 $0x0  }
0x2b: {  	[tilespmem:s20], [sflag:$0x5] =	stream.linear.gather [hbm4b:s7+s2], $0x4000, $0x38;
	[tilespmem:$0x10400] =	vst v63  }
.LBB2_2:
0x2c: {  	_ =	swait.ge [sflag:s21], $0x4000  }
0x2d: {  	p0 =	seq.s32 s31, $0x0;
	[sflag:s21] =	ssyncset.done $0x0  }
0x2e: {  	s0 =	sadd.s32 s31, s11;
	s1 =	simm.s32 @!p0 $0x8;
	[sflag:s21] =	ssyncadd.s32 $0xFFFFC000  }
0x2f: {  	[hbm4b:s0+s2] =	stream.linear.scatter [tilespmem:s2], [sflag:$0x6], $0x4000, $0x38;
	[tilespmem:$0x10400] =	vst v63  }
0x30: {  	_ =	swait.ge @!p0 [sflag:s1], $0x4000  }
0x31: {  	s16 =	simm.s32 @!p0 $0x0;
	[sflag:s1] =	ssyncset.done @!p0 $0x0  }
0x32: {  	s3 =	simm.s32 @!p0 $0x8000;
	[sflag:s1] =	ssyncadd.s32 @!p0 $0xFFFFC000;
	s1 =	sadd.s32 @!p0 s31, s14  }
0x33: {  	[tilespmem:s3], [sflag:$0x4] =	stream.linear.gather @!p0 [hbm4b:s1+s16], $0x4000, $0x38;
	[tilespmem:$0x10400] =	vst v63  }
0x34: {  	_ =	swait.ge [sflag:s22], $0x4000  }
0x35: {  	[sflag:s22] =	ssyncset.done $0x0  }
0x36: {  	s0 =	sadd.s32 $0x800, s0;
	[sflag:s22] =	ssyncadd.s32 $0xFFFFC000  }
0x37: {  	[hbm4b:s0+s2] =	stream.linear.scatter [tilespmem:s18], [sflag:$0x7], $0x4000, $0x38;
	[tilespmem:$0x10400] =	vst v63  }
0x38: {  	s0 =	simm.s32 @!p0 $0x9  }
0x39: {  	_ =	swait.ge @!p0 [sflag:s0], $0x4000  }
0x3a: {  	[sflag:s0] =	ssyncset.done @!p0 $0x0  }
0x3b: {  	s1 =	simm.s32 @!p0 $0xC000;
	[sflag:s0] =	ssyncadd.s32 @!p0 $0xFFFFC000;
	s0 =	sadd.s32 @!p0 s31, s12  }
0x3c: {  	[tilespmem:s1], [sflag:$0x5] =	stream.linear.gather @!p0 [hbm4b:s0+s16], $0x4000, $0x38;
	[tilespmem:$0x10400] =	vst v63  }
0x3d: {  	_ =	swait.ge [sflag:s23], $0x4000  }
0x3e: {  	p0 =	seq.s32 s31, $0x1E000;
	[sflag:s23] =	ssyncset.done $0x0  }
0x3f: {  	s3 =	sadd.s32 s31, s15;
	s0 =	simm.s32 @!p0 $0x6;
	[sflag:s23] =	ssyncadd.s32 $0xFFFFC000  }
0x40: {  	[hbm4b:s3+s2] =	stream.linear.scatter [tilespmem:s19], [sflag:$0x8], $0x4000, $0x38;
	[tilespmem:$0x10400] =	vst v63  }
0x41: {  	_ =	swait.ge @!p0 [sflag:s0], $0x4000  }
0x42: {  	[sflag:s0] =	ssyncset.done @!p0 $0x0  }
0x43: {  	s1 =	simm.s32 @!p0 $0x0;
	[sflag:s0] =	ssyncadd.s32 @!p0 $0xFFFFC000;
	s0 =	sadd.s32 @!p0 s31, s10  }
0x44: {  	[tilespmem:s1], [sflag:$0x2] =	stream.linear.gather @!p0 [hbm4b:s0+s1], $0x4000, $0x38;
	[tilespmem:$0x10400] =	vst v63  }
.Ltmp2:
0x45: {  	_ = 	snop;
	(pc) =	sbr.rel @p0 .LBB2_4-.Ltmp2, $4  }
0x46: {  	_ =	swait.ge [sflag:s24], $0x4000  }
0x47: {  	[sflag:s24] =	ssyncset.done $0x0  }
0x48: {  	s16 =	sadd.s32 s31, s13;
	[sflag:s24] =	ssyncadd.s32 $0xFFFFC000  }
0x49: {  	[hbm4b:s16+s2] =	stream.linear.scatter [tilespmem:s20], [sflag:$0x9], $0x4000, $0x38;
	[tilespmem:$0x10400] =	vst v63  }
.Ltmp3:
0x4a: {  	(pc) =	sbr.rel .LBB2_2-.Ltmp3, $4  }
0x4b: {  	_ =	swait.ge [sflag:s26], $0x4000  }
0x4c: {  	[sflag:s26] =	ssyncset.done $0x0  }
0x4d: {  	s0 =	sadd.s32 s31, s9;
	s31 =	sadd.s32 $0x2000, s31;
	[sflag:s26] =	ssyncadd.s32 $0xFFFFC000  }
0x4e: {  	[tilespmem:s18], [sflag:$0x3] =	stream.linear.gather [hbm4b:s0+s2], $0x4000, $0x38;
	[tilespmem:$0x10400] =	vst v63  }
.LBB2_5:
0x4f: {  	_ =	sfence.sel $0x180000  }
0x50: {  	[bflag:$0x0] =	sbarrier.arrive $0xFFFF  }
0x51: {  	_ =	strace $0x90000047  }
0x52: {  	s0 =	stileid.u32;
	[bflag:$0x2] =	sbarrier.arrive $0xFFFF  }
0x53: {  	p0 =	sne.s32 s0, $0x0;
	s0 =	rddreg [dreg:$0x3]  }
0x54: {  	s0 =	sadd.s32 @!p0 $0x100000, s0  }
0x55: {  	[sflag:s0] =	ssyncadd.tile.s32 @!p0 $0x1;
	_ =	shalt  }
.Lfunc_end2:
_tile_overlayer_lowered:
.L_overlay_start_2:
0x56: {  	(tag) =	ssettag $0x2  }
0x57: {  	s0 =	rddreg [dreg:$0x0];
	s2 =	stileid.u32  }
0x58: {  	s1 =	rddreg [dreg:$0x1];
	p0 =	sne.s32 s2, $0x0  }
0x59: {  	s3 =	rddreg [dreg:$0x2];
	[bflag:$0x3] =	sbarrier.arrive $0xFFFF;
	s2 =	simm.s32 @!p0 $0x1C0A  }
0x5a: {  	[timem:s3], [sflag:s2] =	dma.local @!p0 [hbm:s0], s1  }
0x5b: {  	s0 =	simm.s32 @!p0 $0xA  }
0x5c: {  	_ =	swait.ge @!p0 [sflag:s0], s1  }
0x5d: {  	s1 =	ssub.s32 @!p0 $0x0, s1;
	[sflag:s0] =	ssyncset.done @!p0 $0x0  }
0x5e: {  	[sflag:s0] =	ssyncadd.s32 @!p0 s1  }
0x5f: {  	[bflag:$0x3] =	sbarrier.arrive $0xFFFF  }
0x60: {  	_ =	shalt  }

</sc_bundles>
